<compile_context>
chip_gen: v7x
topology: tpu7x:2x2x1
jax: 0.10.2.dev20260603
libtpu: 0.0.44.dev20260713+nightly
codegen_flags: <defaults>
</compile_context>

<pallas_src>
import functools
import math

import jax
import jax.numpy as jnp
import numpy as np
from jax import lax
from jax.experimental import pallas as pl
from jax.experimental.pallas import tpu as pltpu
from jax.experimental.pallas import tpu_sc as plsc

_ATAN_C = (0.9999999975460202, -0.3333328229551182, 0.19998230640374604,
           -0.14261573680264983, 0.10940198965043517, -0.08372063947828604,
           0.057463557846092916, -0.030717508903231272, 0.010680719446080988,
           -0.0017437011439092583)
_ACOS_C = (1.5707963231771758, -0.21460122624982533, 0.08903147164326626,
           -0.050604003732084984, 0.032611384067433316, -0.02081215069447393,
           0.011126960102177536, -0.004034589383599449, 0.0006993961325743523)

_PI = np.float32(math.pi)
_HALF_PI = np.float32(math.pi / 2)
_C_AZ = np.float32(4 / (2 * math.pi))
_C_EL = np.float32(2 / math.pi)
_RADIUS = np.float32(0.05)
_R_CLIP = np.float32(2 - 1e-6)

_B, _N, _M, _K = 8, 32768, 8192, 32
_NW = 32
_WPB = _NW // _B
_MQ = _M // _WPB
_CM = 16
_CE = _CM * _K
_NCHUNK = _MQ // _CM
_VPC = _CE // 16


def _horner(t, coeffs):
    acc = jnp.full((16,), coeffs[-1], dtype=jnp.float32)
    for c in reversed(coeffs[:-1]):
        acc = acc * t + np.float32(c)
    return acc


def _sqrt16(v):
    i = plsc.bitcast(v, jnp.int32)
    i = np.int32(0x5F3759DF) - (i >> 1)
    y = plsc.bitcast(i, jnp.float32)
    half_v = np.float32(0.5) * v
    for _ in range(3):
        y = y * (np.float32(1.5) - (half_v * y) * y)
    return v * y


def _compute_vreg(nx, ny, nz, qx, qy, qz, d):
    x = nx - qx
    y = ny - qy
    z = nz - qz

    ax = jnp.abs(x)
    ay = jnp.abs(y)
    num = jnp.minimum(ax, ay)
    den = jnp.maximum(ax, ay)
    q0 = num / den
    q0 = jnp.where(den > 0, q0, np.float32(0.0))
    t = q0 * q0
    r0 = q0 * _horner(t, _ATAN_C)
    r1 = jnp.where(ay > ax, _HALF_PI - r0, r0)
    r2 = jnp.where(x < 0, _PI - r1, r1)
    theta = jnp.where(y < 0, -r2, r2)
    azb = (theta + _PI) * _C_AZ

    d1 = d + np.float32(1e-8)
    u = z / d1
    u = jnp.clip(u, np.float32(-1.0), np.float32(1.0))
    s = jnp.abs(u)
    sq = _sqrt16(np.float32(1.0) - s)
    acp = sq * _horner(s, _ACOS_C)
    ac = jnp.where(u < 0, _PI - acp, acp)
    elb = ac * _C_EL

    rb = jnp.clip(d / _RADIUS, np.float32(0.0), _R_CLIP)

    af = azb.astype(jnp.int32)
    ef = elb.astype(jnp.int32)
    rf = rb.astype(jnp.int32)
    a_frac = azb - af.astype(jnp.float32)
    e_frac = elb - ef.astype(jnp.float32)
    r_frac = rb - rf.astype(jnp.float32)

    ca = np.float32(1.0) - a_frac
    ce = np.float32(1.0) - e_frac
    cr = np.float32(1.0) - r_frac
    w00 = ca * ce
    w10 = a_frac * ce
    w01 = ca * e_frac
    w11 = a_frac * e_frac
    ws = (w00 * cr, w10 * cr, w01 * cr, w11 * cr,
          w00 * r_frac, w10 * r_frac, w01 * r_frac, w11 * r_frac)

    three = np.int32(3)
    a0 = (af & three) << 2
    a1 = ((af + 1) & three) << 2
    e0 = jnp.minimum(ef, 1) << 1
    rr = jnp.minimum(rf, 1)
    p00 = a0 + e0
    p10 = a1 + e0
    p01 = a0 + 2
    p11 = a1 + 2
    idxs = (p00 + rr, p10 + rr, p01 + rr, p11 + rr,
            p00 + 1, p10 + 1, p01 + 1, p11 + 1)
    return idxs, ws


def _make_kernel():
    mesh = plsc.VectorSubcoreMesh(core_axis_name="c", subcore_axis_name="s")

    @functools.partial(
        pl.kernel,
        out_type=[jax.ShapeDtypeStruct((_NW, _NCHUNK, _CE * 8), jnp.int32),
                  jax.ShapeDtypeStruct((_NW, _NCHUNK, _CE * 8), jnp.float32)],
        mesh=mesh,
        compiler_params=pltpu.CompilerParams(needs_layout_passes=False),
        scratch_types=[
            pltpu.VMEM((_N * 3,), jnp.float32),
            pltpu.VMEM((_MQ * 3,), jnp.float32),
            pltpu.VMEM((_CE,), jnp.int32),
            pltpu.VMEM((_CE,), jnp.float32),
            pltpu.VMEM((_CE * 8,), jnp.int32),
            pltpu.VMEM((_CE * 8,), jnp.float32),
        ],
    )
    def fuzzy(db_hbm, q_hbm, idx_hbm, dist_hbm, oi_hbm, ow_hbm,
              db_v, q_v, idx_v, dist_v, oi_v, ow_v):
        w = lax.axis_index("s") * 2 + lax.axis_index("c")
        b = w >> 2
        pltpu.sync_copy(db_hbm.at[b], db_v)
        pltpu.sync_copy(q_hbm.at[w], q_v)
        lane = lax.iota(jnp.int32, 16)

        def chunk_body(c, carry):
            pltpu.sync_copy(idx_hbm.at[w, c], idx_v)
            pltpu.sync_copy(dist_hbm.at[w, c], dist_v)

            def vreg_body(v, carry2):
                base = v * 16
                el = base + lane
                nidx = idx_v[pl.ds(base, 16)]
                i3 = nidx * 3
                nx = plsc.load_gather(db_v, [i3])
                ny = plsc.load_gather(db_v, [i3 + 1])
                nz = plsc.load_gather(db_v, [i3 + 2])
                m3 = ((c * _CM) + (el >> 5)) * 3
                qx = plsc.load_gather(q_v, [m3])
                qy = plsc.load_gather(q_v, [m3 + 1])
                qz = plsc.load_gather(q_v, [m3 + 2])
                d = dist_v[pl.ds(base, 16)]
                idxs, ws = _compute_vreg(nx, ny, nz, qx, qy, qz, d)
                opos = el << 3
                for j in range(8):
                    plsc.store_scatter(oi_v, [opos + j], idxs[j])
                    plsc.store_scatter(ow_v, [opos + j], ws[j])
                return carry2

            lax.fori_loop(0, _VPC, vreg_body, 0)
            pltpu.sync_copy(oi_v, oi_hbm.at[w, c])
            pltpu.sync_copy(ow_v, ow_hbm.at[w, c])
            return carry

        lax.fori_loop(0, _NCHUNK, chunk_body, 0)

    return fuzzy


_FUZZY = _make_kernel()


def kernel(database, query, nn_index, nn_count, nn_dist):
    del nn_count
    B, M, K = nn_index.shape
    db2 = database.reshape(_B, _N * 3)
    q2 = query.reshape(_NW, _MQ * 3)
    idx2 = nn_index.reshape(_NW, _NCHUNK, _CE)
    dist2 = nn_dist.reshape(_NW, _NCHUNK, _CE)
    oi, ow = _FUZZY(db2, q2, idx2, dist2)
    return oi.reshape(B, M, K, 8), ow.reshape(B, M, K, 8)

# --- scband reference (transcript-rebuilt; emitter-appended) ---
"""Pipeline reference for scband-fast-fuzzy-sphere-16681652977957 (READ-ONLY COPY).

The authoritative reference and input builder live on the scoring server;
editing this copy changes nothing except your own understanding.
"""

import jax, jax.numpy as jnp
import numpy as np
import math

N_AZ, N_EL, N_R = 4, 2, 2
RADIUS = 0.05

def setup_inputs(seed: int = 0) -> dict:
    key = jax.random.key(seed)
    k1, k2, k3, k4, k5 = jax.random.split(key, 5)
    B, N, M, K = 8, 32768, 8192, 32
    database = jax.random.normal(k1, (B, N, 3), dtype=jnp.float32)
    query = jax.random.normal(k2, (B, M, 3), dtype=jnp.float32)
    nn_index = jax.random.randint(k3, (B, M, K), 0, N, dtype=jnp.int32)
    nn_count = jax.random.randint(k4, (B, M), 0, K, dtype=jnp.int32)
    nn_dist = jax.random.uniform(k5, (B, M, K), dtype=jnp.float32)
    return {"database": database, "query": query, "nn_index": nn_index, "nn_count": nn_count, "nn_dist": nn_dist}

def _bin_index(a, e, r):
    return ((a % N_AZ) * N_EL + jnp.clip(e, 0, N_EL - 1)) * N_R + jnp.clip(r, 0, N_R - 1)

def reference(database, query, nn_index, nn_count, nn_dist):
    B, M, K = nn_index.shape
    batch_idx = jnp.arange(B).reshape(B, 1, 1)
    neighbors = database[batch_idx, nn_index]  # [B, M, K, 3]
    relative_pos = neighbors - query[:, :, None, :]
    x = relative_pos[..., 0]
    y = relative_pos[..., 1]
    z = relative_pos[..., 2]
    azimuth = jnp.arctan2(y, x) + math.pi
    elevation = jnp.arccos(jnp.clip(z / (nn_dist + 1e-08), -1.0, 1.0))
    radial = nn_dist / RADIUS
    azimuth_bin = azimuth * (N_AZ / (2 * math.pi))
    elevation_bin = elevation * (N_EL / math.pi)
    radial_bin = jnp.clip(radial, 0.0, N_R - 1e-06)
    a_floor = jnp.floor(azimuth_bin).astype(jnp.int32)
    e_floor = jnp.floor(elevation_bin).astype(jnp.int32)
    r_floor = jnp.floor(radial_bin).astype(jnp.int32)
    a_frac = azimuth_bin - a_floor.astype(jnp.float32)
    e_frac = elevation_bin - e_floor.astype(jnp.float32)
    r_frac = radial_bin - r_floor.astype(jnp.float32)
    weights = jnp.stack([
        (1 - a_frac) * (1 - e_frac) * (1 - r_frac),
        a_frac * (1 - e_frac) * (1 - r_frac),
        (1 - a_frac) * e_frac * (1 - r_frac),
        a_frac * e_frac * (1 - r_frac),
        (1 - a_frac) * (1 - e_frac) * r_frac,
        a_frac * (1 - e_frac) * r_frac,
        (1 - a_frac) * e_frac * r_frac,
        a_frac * e_frac * r_frac,
    ], axis=-1)
    indices = jnp.stack([
        _bin_index(a_floor, e_floor, r_floor),
        _bin_index(a_floor + 1, e_floor, r_floor),
        _bin_index(a_floor, e_floor + 1, r_floor),
        _bin_index(a_floor + 1, e_floor + 1, r_floor),
        _bin_index(a_floor, e_floor, r_floor + 1),
        _bin_index(a_floor + 1, e_floor, r_floor + 1),
        _bin_index(a_floor, e_floor + 1, r_floor + 1),
        _bin_index(a_floor + 1, e_floor + 1, r_floor + 1),
    ], axis=-1)
    return (indices, weights)

if __name__ == "__main__":
    import jax
    _d = setup_inputs()
    print(jax.jit(kernel)(*tuple(_d.values())))

</pallas_src>

<mosaic_0001>
#map = affine_map<(d0, d1) -> (0, 0)>
#map1 = affine_map<(d0, d1) -> (0, 0, 0)>
module attributes {stable_mosaic.version = 14 : i64} {
  func.func @fuzzy(%arg0: i32, %arg1: i32, %arg2: memref<8x98304xf32, #tpu.memory_space<hbm>>, %arg3: memref<32x6144xf32, #tpu.memory_space<hbm>>, %arg4: memref<32x128x512xi32, #tpu.memory_space<hbm>>, %arg5: memref<32x128x512xf32, #tpu.memory_space<hbm>>, %arg6: memref<32x128x4096xi32, #tpu.memory_space<hbm>>, %arg7: memref<32x128x4096xf32, #tpu.memory_space<hbm>>, %arg8: memref<98304xf32, #tpu.memory_space<vmem>>, %arg9: memref<6144xf32, #tpu.memory_space<vmem>>, %arg10: memref<512xi32, #tpu.memory_space<vmem>>, %arg11: memref<512xf32, #tpu.memory_space<vmem>>, %arg12: memref<4096xi32, #tpu.memory_space<vmem>>, %arg13: memref<4096xf32, #tpu.memory_space<vmem>>) attributes {dimension_semantics = [#tpu.dimension_semantics<core_parallel>, #tpu.dimension_semantics<subcore_parallel>], iteration_bounds = array<i64: 2, 16>, scalar_prefetch = 0 : i64, scratch_operands = 6 : i64, tpu.core_type = #tpu.core_type<sc_vector_subcore>, window_params = [{transform_indices = #map}, {transform_indices = #map}, {transform_indices = #map1}, {transform_indices = #map1}, {transform_indices = #map1}, {transform_indices = #map1}]} {
    %mul3A = arith.constant 2 : i32
    %mul3A_0 = arith.muli %arg1, %mul3A : i32
    %add3A = arith.addi %mul3A_0, %arg0 : i32
    %shift_right_arithmetic3A = arith.constant 2 : i32
    %shift_right_arithmetic3A_1 = arith.shrsi %add3A, %shift_right_arithmetic3A : i32
    "tpu.region"() ({
      %run_scoped3A = tpu.sem_alloc : memref<!tpu.dma_semaphore, #tpu.memory_space<semaphore_mem>>
      %dma_start3A = arith.constant 0 : i32
      %dma_start3A_7 = tpu.memref_slice %arg2[%shift_right_arithmetic3A_1, %dma_start3A] : memref<8x98304xf32, #tpu.memory_space<hbm>> -> memref<1x98304xf32, #tpu.memory_space<hbm>>
      %dma_start3A_8 = tpu.memref_squeeze %dma_start3A_7 : memref<1x98304xf32, #tpu.memory_space<hbm>> -> memref<98304xf32, #tpu.memory_space<hbm>>
      %dma_start3A_9 = arith.constant 0 : i32
      %dma_start3A_10 = tpu.memref_slice %arg2[%shift_right_arithmetic3A_1, %dma_start3A_9] : memref<8x98304xf32, #tpu.memory_space<hbm>> -> memref<1x98304xf32, #tpu.memory_space<hbm>>
      %dma_start3A_11 = tpu.memref_squeeze %dma_start3A_10 : memref<1x98304xf32, #tpu.memory_space<hbm>> -> memref<98304xf32, #tpu.memory_space<hbm>>
      tpu.enqueue_dma source(%dma_start3A_11 : memref<98304xf32, #tpu.memory_space<hbm>>) target(%arg8 : memref<98304xf32, #tpu.memory_space<vmem>>) target_semaphore(%run_scoped3A : memref<!tpu.dma_semaphore, #tpu.memory_space<semaphore_mem>>)
      %dma_wait3A = arith.constant 0 : i32
      %dma_wait3A_12 = tpu.memref_slice %arg2[%shift_right_arithmetic3A_1, %dma_wait3A] : memref<8x98304xf32, #tpu.memory_space<hbm>> -> memref<1x98304xf32, #tpu.memory_space<hbm>>
      %dma_wait3A_13 = tpu.memref_squeeze %dma_wait3A_12 : memref<1x98304xf32, #tpu.memory_space<hbm>> -> memref<98304xf32, #tpu.memory_space<hbm>>
      %dma_wait3A_14 = arith.constant 0 : i32
      %dma_wait3A_15 = tpu.memref_slice %arg2[%shift_right_arithmetic3A_1, %dma_wait3A_14] : memref<8x98304xf32, #tpu.memory_space<hbm>> -> memref<1x98304xf32, #tpu.memory_space<hbm>>
      %dma_wait3A_16 = tpu.memref_squeeze %dma_wait3A_15 : memref<1x98304xf32, #tpu.memory_space<hbm>> -> memref<98304xf32, #tpu.memory_space<hbm>>
      tpu.wait_dma2 semaphore(%run_scoped3A : memref<!tpu.dma_semaphore, #tpu.memory_space<semaphore_mem>>) src(%dma_wait3A_16 : memref<98304xf32, #tpu.memory_space<hbm>>) dst(%arg8 : memref<98304xf32, #tpu.memory_space<vmem>>)
      tpu.yield
    }) : () -> ()
    "tpu.region"() ({
      %run_scoped3A = tpu.sem_alloc : memref<!tpu.dma_semaphore, #tpu.memory_space<semaphore_mem>>
      %dma_start3A = arith.constant 0 : i32
      %dma_start3A_7 = tpu.memref_slice %arg3[%add3A, %dma_start3A] : memref<32x6144xf32, #tpu.memory_space<hbm>> -> memref<1x6144xf32, #tpu.memory_space<hbm>>
      %dma_start3A_8 = tpu.memref_squeeze %dma_start3A_7 : memref<1x6144xf32, #tpu.memory_space<hbm>> -> memref<6144xf32, #tpu.memory_space<hbm>>
      %dma_start3A_9 = arith.constant 0 : i32
      %dma_start3A_10 = tpu.memref_slice %arg3[%add3A, %dma_start3A_9] : memref<32x6144xf32, #tpu.memory_space<hbm>> -> memref<1x6144xf32, #tpu.memory_space<hbm>>
      %dma_start3A_11 = tpu.memref_squeeze %dma_start3A_10 : memref<1x6144xf32, #tpu.memory_space<hbm>> -> memref<6144xf32, #tpu.memory_space<hbm>>
      tpu.enqueue_dma source(%dma_start3A_11 : memref<6144xf32, #tpu.memory_space<hbm>>) target(%arg9 : memref<6144xf32, #tpu.memory_space<vmem>>) target_semaphore(%run_scoped3A : memref<!tpu.dma_semaphore, #tpu.memory_space<semaphore_mem>>)
      %dma_wait3A = arith.constant 0 : i32
      %dma_wait3A_12 = tpu.memref_slice %arg3[%add3A, %dma_wait3A] : memref<32x6144xf32, #tpu.memory_space<hbm>> -> memref<1x6144xf32, #tpu.memory_space<hbm>>
      %dma_wait3A_13 = tpu.memref_squeeze %dma_wait3A_12 : memref<1x6144xf32, #tpu.memory_space<hbm>> -> memref<6144xf32, #tpu.memory_space<hbm>>
      %dma_wait3A_14 = arith.constant 0 : i32
      %dma_wait3A_15 = tpu.memref_slice %arg3[%add3A, %dma_wait3A_14] : memref<32x6144xf32, #tpu.memory_space<hbm>> -> memref<1x6144xf32, #tpu.memory_space<hbm>>
      %dma_wait3A_16 = tpu.memref_squeeze %dma_wait3A_15 : memref<1x6144xf32, #tpu.memory_space<hbm>> -> memref<6144xf32, #tpu.memory_space<hbm>>
      tpu.wait_dma2 semaphore(%run_scoped3A : memref<!tpu.dma_semaphore, #tpu.memory_space<semaphore_mem>>) src(%dma_wait3A_16 : memref<6144xf32, #tpu.memory_space<hbm>>) dst(%arg9 : memref<6144xf32, #tpu.memory_space<vmem>>)
      tpu.yield
    }) : () -> ()
    %iota3A = tpu.iota {dimensions = array<i32: 0>} : vector<16xi32>
    %scan3A = arith.constant 0 : i32
    %scan3A_2 = arith.constant 0 : i32
    %scan3A_3 = arith.constant 128 : i32
    %scan3A_4 = arith.addi %scan3A_2, %scan3A_3 : i32
    %scan3A_5 = arith.constant 1 : i32
    scf.for %scan3A_7 = %scan3A_2 to %scan3A_4 step %scan3A_5  : i32 {
      "tpu.region"() ({
        %run_scoped3A = tpu.sem_alloc : memref<!tpu.dma_semaphore, #tpu.memory_space<semaphore_mem>>
        %dma_start3A = arith.constant 0 : i32
        %dma_start3A_14 = tpu.memref_slice %arg4[%add3A, %scan3A_7, %dma_start3A] : memref<32x128x512xi32, #tpu.memory_space<hbm>> -> memref<1x1x512xi32, #tpu.memory_space<hbm>>
        %dma_start3A_15 = tpu.memref_squeeze %dma_start3A_14 : memref<1x1x512xi32, #tpu.memory_space<hbm>> -> memref<512xi32, #tpu.memory_space<hbm>>
        %dma_start3A_16 = arith.constant 0 : i32
        %dma_start3A_17 = tpu.memref_slice %arg4[%add3A, %scan3A_7, %dma_start3A_16] : memref<32x128x512xi32, #tpu.memory_space<hbm>> -> memref<1x1x512xi32, #tpu.memory_space<hbm>>
        %dma_start3A_18 = tpu.memref_squeeze %dma_start3A_17 : memref<1x1x512xi32, #tpu.memory_space<hbm>> -> memref<512xi32, #tpu.memory_space<hbm>>
        tpu.enqueue_dma source(%dma_start3A_18 : memref<512xi32, #tpu.memory_space<hbm>>) target(%arg10 : memref<512xi32, #tpu.memory_space<vmem>>) target_semaphore(%run_scoped3A : memref<!tpu.dma_semaphore, #tpu.memory_space<semaphore_mem>>)
        %dma_wait3A = arith.constant 0 : i32
        %dma_wait3A_19 = tpu.memref_slice %arg4[%add3A, %scan3A_7, %dma_wait3A] : memref<32x128x512xi32, #tpu.memory_space<hbm>> -> memref<1x1x512xi32, #tpu.memory_space<hbm>>
        %dma_wait3A_20 = tpu.memref_squeeze %dma_wait3A_19 : memref<1x1x512xi32, #tpu.memory_space<hbm>> -> memref<512xi32, #tpu.memory_space<hbm>>
        %dma_wait3A_21 = arith.constant 0 : i32
        %dma_wait3A_22 = tpu.memref_slice %arg4[%add3A, %scan3A_7, %dma_wait3A_21] : memref<32x128x512xi32, #tpu.memory_space<hbm>> -> memref<1x1x512xi32, #tpu.memory_space<hbm>>
        %dma_wait3A_23 = tpu.memref_squeeze %dma_wait3A_22 : memref<1x1x512xi32, #tpu.memory_space<hbm>> -> memref<512xi32, #tpu.memory_space<hbm>>
        tpu.wait_dma2 semaphore(%run_scoped3A : memref<!tpu.dma_semaphore, #tpu.memory_space<semaphore_mem>>) src(%dma_wait3A_23 : memref<512xi32, #tpu.memory_space<hbm>>) dst(%arg10 : memref<512xi32, #tpu.memory_space<vmem>>)
        tpu.yield
      }) : () -> ()
      "tpu.region"() ({
        %run_scoped3A = tpu.sem_alloc : memref<!tpu.dma_semaphore, #tpu.memory_space<semaphore_mem>>
        %dma_start3A = arith.constant 0 : i32
        %dma_start3A_14 = tpu.memref_slice %arg5[%add3A, %scan3A_7, %dma_start3A] : memref<32x128x512xf32, #tpu.memory_space<hbm>> -> memref<1x1x512xf32, #tpu.memory_space<hbm>>
        %dma_start3A_15 = tpu.memref_squeeze %dma_start3A_14 : memref<1x1x512xf32, #tpu.memory_space<hbm>> -> memref<512xf32, #tpu.memory_space<hbm>>
        %dma_start3A_16 = arith.constant 0 : i32
        %dma_start3A_17 = tpu.memref_slice %arg5[%add3A, %scan3A_7, %dma_start3A_16] : memref<32x128x512xf32, #tpu.memory_space<hbm>> -> memref<1x1x512xf32, #tpu.memory_space<hbm>>
        %dma_start3A_18 = tpu.memref_squeeze %dma_start3A_17 : memref<1x1x512xf32, #tpu.memory_space<hbm>> -> memref<512xf32, #tpu.memory_space<hbm>>
        tpu.enqueue_dma source(%dma_start3A_18 : memref<512xf32, #tpu.memory_space<hbm>>) target(%arg11 : memref<512xf32, #tpu.memory_space<vmem>>) target_semaphore(%run_scoped3A : memref<!tpu.dma_semaphore, #tpu.memory_space<semaphore_mem>>)
        %dma_wait3A = arith.constant 0 : i32
        %dma_wait3A_19 = tpu.memref_slice %arg5[%add3A, %scan3A_7, %dma_wait3A] : memref<32x128x512xf32, #tpu.memory_space<hbm>> -> memref<1x1x512xf32, #tpu.memory_space<hbm>>
        %dma_wait3A_20 = tpu.memref_squeeze %dma_wait3A_19 : memref<1x1x512xf32, #tpu.memory_space<hbm>> -> memref<512xf32, #tpu.memory_space<hbm>>
        %dma_wait3A_21 = arith.constant 0 : i32
        %dma_wait3A_22 = tpu.memref_slice %arg5[%add3A, %scan3A_7, %dma_wait3A_21] : memref<32x128x512xf32, #tpu.memory_space<hbm>> -> memref<1x1x512xf32, #tpu.memory_space<hbm>>
        %dma_wait3A_23 = tpu.memref_squeeze %dma_wait3A_22 : memref<1x1x512xf32, #tpu.memory_space<hbm>> -> memref<512xf32, #tpu.memory_space<hbm>>
        tpu.wait_dma2 semaphore(%run_scoped3A : memref<!tpu.dma_semaphore, #tpu.memory_space<semaphore_mem>>) src(%dma_wait3A_23 : memref<512xf32, #tpu.memory_space<hbm>>) dst(%arg11 : memref<512xf32, #tpu.memory_space<vmem>>)
        tpu.yield
      }) : () -> ()
      %scan3A_8 = arith.constant 0 : i32
      %scan3A_9 = arith.constant 0 : i32
      %scan3A_10 = arith.constant 32 : i32
      %scan3A_11 = arith.addi %scan3A_9, %scan3A_10 : i32
      %scan3A_12 = arith.constant 1 : i32
      scf.for %scan3A_14 = %scan3A_9 to %scan3A_11 step %scan3A_12  : i32 {
        %mul3A_15 = arith.constant 16 : i32
        %mul3A_16 = arith.muli %scan3A_14, %mul3A_15 : i32
        %add3A_17 = vector.broadcast %mul3A_16 : i32 to vector<16xi32>
        %add3A_18 = arith.addi %add3A_17, %iota3A : vector<16xi32>
        %get3A = arith.index_cast %mul3A_16 : i32 to index
        %get3A_19 = tpu.vector_load %arg10[%get3A] {strides = array<i32>} : memref<512xi32, #tpu.memory_space<vmem>>, vector<16xi32>,
        %mul3A_20 = arith.constant 3 : i32
        %mul3A_21 = vector.broadcast %mul3A_20 : i32 to vector<16xi32>
        %mul3A_22 = arith.muli %get3A_19, %mul3A_21 : vector<16xi32>
        %gather3A = tpu.vector_load_idx %arg8[%mul3A_22] : memref<98304xf32, #tpu.memory_space<vmem>>[vector<16xi32>], vector<16xf32>,
        %add3A_23 = arith.constant 1 : i32
        %add3A_24 = vector.broadcast %add3A_23 : i32 to vector<16xi32>
        %add3A_25 = arith.addi %mul3A_22, %add3A_24 : vector<16xi32>
        %gather3A_26 = tpu.vector_load_idx %arg8[%add3A_25] : memref<98304xf32, #tpu.memory_space<vmem>>[vector<16xi32>], vector<16xf32>,
        %add3A_27 = arith.constant 2 : i32
        %add3A_28 = vector.broadcast %add3A_27 : i32 to vector<16xi32>
        %add3A_29 = arith.addi %mul3A_22, %add3A_28 : vector<16xi32>
        %gather3A_30 = tpu.vector_load_idx %arg8[%add3A_29] : memref<98304xf32, #tpu.memory_space<vmem>>[vector<16xi32>], vector<16xf32>,
        %mul3A_31 = arith.constant 16 : i32
        %mul3A_32 = arith.muli %scan3A_7, %mul3A_31 : i32
        %shift_right_arithmetic3A_33 = arith.constant 5 : i32
        %shift_right_arithmetic3A_34 = vector.broadcast %shift_right_arithmetic3A_33 : i32 to vector<16xi32>
        %shift_right_arithmetic3A_35 = arith.shrsi %add3A_18, %shift_right_arithmetic3A_34 : vector<16xi32>
        %add3A_36 = vector.broadcast %mul3A_32 : i32 to vector<16xi32>
        %add3A_37 = arith.addi %add3A_36, %shift_right_arithmetic3A_35 : vector<16xi32>
        %mul3A_38 = arith.constant 3 : i32
        %mul3A_39 = vector.broadcast %mul3A_38 : i32 to vector<16xi32>
        %mul3A_40 = arith.muli %add3A_37, %mul3A_39 : vector<16xi32>
        %gather3A_41 = tpu.vector_load_idx %arg9[%mul3A_40] : memref<6144xf32, #tpu.memory_space<vmem>>[vector<16xi32>], vector<16xf32>,
        %add3A_42 = arith.constant 1 : i32
        %add3A_43 = vector.broadcast %add3A_42 : i32 to vector<16xi32>
        %add3A_44 = arith.addi %mul3A_40, %add3A_43 : vector<16xi32>
        %gather3A_45 = tpu.vector_load_idx %arg9[%add3A_44] : memref<6144xf32, #tpu.memory_space<vmem>>[vector<16xi32>], vector<16xf32>,
        %add3A_46 = arith.constant 2 : i32
        %add3A_47 = vector.broadcast %add3A_46 : i32 to vector<16xi32>
        %add3A_48 = arith.addi %mul3A_40, %add3A_47 : vector<16xi32>
        %gather3A_49 = tpu.vector_load_idx %arg9[%add3A_48] : memref<6144xf32, #tpu.memory_space<vmem>>[vector<16xi32>], vector<16xf32>,
        %get3A_50 = arith.index_cast %mul3A_16 : i32 to index
        %get3A_51 = tpu.vector_load %arg11[%get3A_50] {strides = array<i32>} : memref<512xf32, #tpu.memory_space<vmem>>, vector<16xf32>,
        %sub3A = arith.subf %gather3A, %gather3A_41 : vector<16xf32>
        %sub3A_52 = arith.subf %gather3A_26, %gather3A_45 : vector<16xf32>
        %sub3A_53 = arith.subf %gather3A_30, %gather3A_49 : vector<16xf32>
        %abs3A = math.absf %sub3A : vector<16xf32>
        %abs3A_54 = math.absf %sub3A_52 : vector<16xf32>
        %min3A = arith.minimumf %abs3A, %abs3A_54 : vector<16xf32>
        %max3A = arith.maximumf %abs3A, %abs3A_54 : vector<16xf32>
        %div3A = arith.divf %min3A, %max3A : vector<16xf32>
        %gt3A = arith.constant 0.000000e+00 : f32
        %gt3A_55 = vector.broadcast %gt3A : f32 to vector<16xf32>
        %gt3A_56 = arith.cmpf ogt, %max3A, %gt3A_55 : vector<16xf32>
        %jit3A = arith.constant 0.000000e+00 : f32
        %broadcast_in_dim3A = vector.broadcast %jit3A : f32 to vector<16xf32>
        %select_n3A = arith.select %gt3A_56, %div3A, %broadcast_in_dim3A : vector<16xi1>, vector<16xf32>
        %mul3A_57 = arith.mulf %select_n3A, %select_n3A : vector<16xf32>
        %broadcast_in_dim3A_58 = arith.constant -0.00174370117 : f32
        %broadcast_in_dim3A_59 = vector.broadcast %broadcast_in_dim3A_58 : f32 to vector<16xf32>
        %mul3A_60 = arith.mulf %broadcast_in_dim3A_59, %mul3A_57 : vector<16xf32>
        %add3A_61 = arith.constant 0.0106807193 : f32
        %add3A_62 = vector.broadcast %add3A_61 : f32 to vector<16xf32>
        %add3A_63 = arith.addf %mul3A_60, %add3A_62 : vector<16xf32>
        %mul3A_64 = arith.mulf %add3A_63, %mul3A_57 : vector<16xf32>
        %add3A_65 = arith.constant -0.0307175089 : f32
        %add3A_66 = vector.broadcast %add3A_65 : f32 to vector<16xf32>
        %add3A_67 = arith.addf %mul3A_64, %add3A_66 : vector<16xf32>
        %mul3A_68 = arith.mulf %add3A_67, %mul3A_57 : vector<16xf32>
        %add3A_69 = arith.constant 0.0574635565 : f32
        %add3A_70 = vector.broadcast %add3A_69 : f32 to vector<16xf32>
        %add3A_71 = arith.addf %mul3A_68, %add3A_70 : vector<16xf32>
        %mul3A_72 = arith.mulf %add3A_71, %mul3A_57 : vector<16xf32>
        %add3A_73 = arith.constant -0.0837206393 : f32
        %add3A_74 = vector.broadcast %add3A_73 : f32 to vector<16xf32>
        %add3A_75 = arith.addf %mul3A_72, %add3A_74 : vector<16xf32>
        %mul3A_76 = arith.mulf %add3A_75, %mul3A_57 : vector<16xf32>
        %add3A_77 = arith.constant 0.109401986 : f32
        %add3A_78 = vector.broadcast %add3A_77 : f32 to vector<16xf32>
        %add3A_79 = arith.addf %mul3A_76, %add3A_78 : vector<16xf32>
        %mul3A_80 = arith.mulf %add3A_79, %mul3A_57 : vector<16xf32>
        %add3A_81 = arith.constant -0.142615736 : f32
        %add3A_82 = vector.broadcast %add3A_81 : f32 to vector<16xf32>
        %add3A_83 = arith.addf %mul3A_80, %add3A_82 : vector<16xf32>
        %mul3A_84 = arith.mulf %add3A_83, %mul3A_57 : vector<16xf32>
        %add3A_85 = arith.constant 0.1999823 : f32
        %add3A_86 = vector.broadcast %add3A_85 : f32 to vector<16xf32>
        %add3A_87 = arith.addf %mul3A_84, %add3A_86 : vector<16xf32>
        %mul3A_88 = arith.mulf %add3A_87, %mul3A_57 : vector<16xf32>
        %add3A_89 = arith.constant -0.333332837 : f32
        %add3A_90 = vector.broadcast %add3A_89 : f32 to vector<16xf32>
        %add3A_91 = arith.addf %mul3A_88, %add3A_90 : vector<16xf32>
        %mul3A_92 = arith.mulf %add3A_91, %mul3A_57 : vector<16xf32>
        %add3A_93 = arith.constant 1.000000e+00 : f32
        %add3A_94 = vector.broadcast %add3A_93 : f32 to vector<16xf32>
        %add3A_95 = arith.addf %mul3A_92, %add3A_94 : vector<16xf32>
        %mul3A_96 = arith.mulf %select_n3A, %add3A_95 : vector<16xf32>
        %gt3A_97 = arith.cmpf ogt, %abs3A_54, %abs3A : vector<16xf32>
        %sub3A_98 = arith.constant 1.57079637 : f32
        %sub3A_99 = vector.broadcast %sub3A_98 : f32 to vector<16xf32>
        %sub3A_100 = arith.subf %sub3A_99, %mul3A_96 : vector<16xf32>
        %select_n3A_101 = arith.select %gt3A_97, %sub3A_100, %mul3A_96 : vector<16xi1>, vector<16xf32>
        %lt3A = arith.constant 0.000000e+00 : f32
        %lt3A_102 = vector.broadcast %lt3A : f32 to vector<16xf32>
        %lt3A_103 = arith.cmpf olt, %sub3A, %lt3A_102 : vector<16xf32>
        %sub3A_104 = arith.constant 3.14159274 : f32
        %sub3A_105 = vector.broadcast %sub3A_104 : f32 to vector<16xf32>
        %sub3A_106 = arith.subf %sub3A_105, %select_n3A_101 : vector<16xf32>
        %select_n3A_107 = arith.select %lt3A_103, %sub3A_106, %select_n3A_101 : vector<16xi1>, vector<16xf32>
        %lt3A_108 = arith.constant 0.000000e+00 : f32
        %lt3A_109 = vector.broadcast %lt3A_108 : f32 to vector<16xf32>
        %lt3A_110 = arith.cmpf olt, %sub3A_52, %lt3A_109 : vector<16xf32>
        %neg3A = arith.constant 0.000000e+00 : f32
        %neg3A_111 = vector.broadcast %neg3A : f32 to vector<16xf32>
        %neg3A_112 = arith.subf %neg3A_111, %select_n3A_107 : vector<16xf32>
        %select_n3A_113 = arith.select %lt3A_110, %neg3A_112, %select_n3A_107 : vector<16xi1>, vector<16xf32>
        %add3A_114 = arith.constant 3.14159274 : f32
        %add3A_115 = vector.broadcast %add3A_114 : f32 to vector<16xf32>
        %add3A_116 = arith.addf %select_n3A_113, %add3A_115 : vector<16xf32>
        %mul3A_117 = arith.constant 0.636619746 : f32
        %mul3A_118 = vector.broadcast %mul3A_117 : f32 to vector<16xf32>
        %mul3A_119 = arith.mulf %add3A_116, %mul3A_118 : vector<16xf32>
        %add3A_120 = arith.constant 9.99999993E-9 : f32
        %add3A_121 = vector.broadcast %add3A_120 : f32 to vector<16xf32>
        %add3A_122 = arith.addf %get3A_51, %add3A_121 : vector<16xf32>
        %div3A_123 = arith.divf %sub3A_53, %add3A_122 : vector<16xf32>
        %jit3A_124 = arith.constant -1.000000e+00 : f32
        %jit3A_125 = arith.constant 1.000000e+00 : f32
        %max3A_126 = vector.broadcast %jit3A_124 : f32 to vector<16xf32>
        %max3A_127 = arith.maximumf %max3A_126, %div3A_123 : vector<16xf32>
        %min3A_128 = vector.broadcast %jit3A_125 : f32 to vector<16xf32>
        %min3A_129 = arith.minimumf %min3A_128, %max3A_127 : vector<16xf32>
        %abs3A_130 = math.absf %min3A_129 : vector<16xf32>
        %sub3A_131 = arith.constant 1.000000e+00 : f32
        %sub3A_132 = vector.broadcast %sub3A_131 : f32 to vector<16xf32>
        %sub3A_133 = arith.subf %sub3A_132, %abs3A_130 : vector<16xf32>
        %bitcast3A = vector.bitcast %sub3A_133 : vector<16xf32> to vector<16xi32>
        %shift_right_arithmetic3A_134 = arith.constant 1 : i32
        %shift_right_arithmetic3A_135 = vector.broadcast %shift_right_arithmetic3A_134 : i32 to vector<16xi32>
        %shift_right_arithmetic3A_136 = arith.shrsi %bitcast3A, %shift_right_arithmetic3A_135 : vector<16xi32>
        %sub3A_137 = arith.constant 1597463007 : i32
        %sub3A_138 = vector.broadcast %sub3A_137 : i32 to vector<16xi32>
        %sub3A_139 = arith.subi %sub3A_138, %shift_right_arithmetic3A_136 : vector<16xi32>
        %bitcast3A_140 = vector.bitcast %sub3A_139 : vector<16xi32> to vector<16xf32>
        %mul3A_141 = arith.constant 5.000000e-01 : f32
        %mul3A_142 = vector.broadcast %mul3A_141 : f32 to vector<16xf32>
        %mul3A_143 = arith.mulf %mul3A_142, %sub3A_133 : vector<16xf32>
        %mul3A_144 = arith.mulf %mul3A_143, %bitcast3A_140 : vector<16xf32>
        %mul3A_145 = arith.mulf %mul3A_144, %bitcast3A_140 : vector<16xf32>
        %sub3A_146 = arith.constant 1.500000e+00 : f32
        %sub3A_147 = vector.broadcast %sub3A_146 : f32 to vector<16xf32>
        %sub3A_148 = arith.subf %sub3A_147, %mul3A_145 : vector<16xf32>
        %mul3A_149 = arith.mulf %bitcast3A_140, %sub3A_148 : vector<16xf32>
        %mul3A_150 = arith.mulf %mul3A_143, %mul3A_149 : vector<16xf32>
        %mul3A_151 = arith.mulf %mul3A_150, %mul3A_149 : vector<16xf32>
        %sub3A_152 = arith.constant 1.500000e+00 : f32
        %sub3A_153 = vector.broadcast %sub3A_152 : f32 to vector<16xf32>
        %sub3A_154 = arith.subf %sub3A_153, %mul3A_151 : vector<16xf32>
        %mul3A_155 = arith.mulf %mul3A_149, %sub3A_154 : vector<16xf32>
        %mul3A_156 = arith.mulf %mul3A_143, %mul3A_155 : vector<16xf32>
        %mul3A_157 = arith.mulf %mul3A_156, %mul3A_155 : vector<16xf32>
        %sub3A_158 = arith.constant 1.500000e+00 : f32
        %sub3A_159 = vector.broadcast %sub3A_158 : f32 to vector<16xf32>
        %sub3A_160 = arith.subf %sub3A_159, %mul3A_157 : vector<16xf32>
        %mul3A_161 = arith.mulf %mul3A_155, %sub3A_160 : vector<16xf32>
        %mul3A_162 = arith.mulf %sub3A_133, %mul3A_161 : vector<16xf32>
        %broadcast_in_dim3A_163 = arith.constant 6.99396128E-4 : f32
        %broadcast_in_dim3A_164 = vector.broadcast %broadcast_in_dim3A_163 : f32 to vector<16xf32>
        %mul3A_165 = arith.mulf %broadcast_in_dim3A_164, %abs3A_130 : vector<16xf32>
        %add3A_166 = arith.constant -0.00403458951 : f32
        %add3A_167 = vector.broadcast %add3A_166 : f32 to vector<16xf32>
        %add3A_168 = arith.addf %mul3A_165, %add3A_167 : vector<16xf32>
        %mul3A_169 = arith.mulf %add3A_168, %abs3A_130 : vector<16xf32>
        %add3A_170 = arith.constant 0.0111269597 : f32
        %add3A_171 = vector.broadcast %add3A_170 : f32 to vector<16xf32>
        %add3A_172 = arith.addf %mul3A_169, %add3A_171 : vector<16xf32>
        %mul3A_173 = arith.mulf %add3A_172, %abs3A_130 : vector<16xf32>
        %add3A_174 = arith.constant -0.0208121501 : f32
        %add3A_175 = vector.broadcast %add3A_174 : f32 to vector<16xf32>
        %add3A_176 = arith.addf %mul3A_173, %add3A_175 : vector<16xf32>
        %mul3A_177 = arith.mulf %add3A_176, %abs3A_130 : vector<16xf32>
        %add3A_178 = arith.constant 0.032611385 : f32
        %add3A_179 = vector.broadcast %add3A_178 : f32 to vector<16xf32>
        %add3A_180 = arith.addf %mul3A_177, %add3A_179 : vector<16xf32>
        %mul3A_181 = arith.mulf %add3A_180, %abs3A_130 : vector<16xf32>
        %add3A_182 = arith.constant -0.0506040044 : f32
        %add3A_183 = vector.broadcast %add3A_182 : f32 to vector<16xf32>
        %add3A_184 = arith.addf %mul3A_181, %add3A_183 : vector<16xf32>
        %mul3A_185 = arith.mulf %add3A_184, %abs3A_130 : vector<16xf32>
        %add3A_186 = arith.constant 0.0890314728 : f32
        %add3A_187 = vector.broadcast %add3A_186 : f32 to vector<16xf32>
        %add3A_188 = arith.addf %mul3A_185, %add3A_187 : vector<16xf32>
        %mul3A_189 = arith.mulf %add3A_188, %abs3A_130 : vector<16xf32>
        %add3A_190 = arith.constant -0.214601234 : f32
        %add3A_191 = vector.broadcast %add3A_190 : f32 to vector<16xf32>
        %add3A_192 = arith.addf %mul3A_189, %add3A_191 : vector<16xf32>
        %mul3A_193 = arith.mulf %add3A_192, %abs3A_130 : vector<16xf32>
        %add3A_194 = arith.constant 1.57079637 : f32
        %add3A_195 = vector.broadcast %add3A_194 : f32 to vector<16xf32>
        %add3A_196 = arith.addf %mul3A_193, %add3A_195 : vector<16xf32>
        %mul3A_197 = arith.mulf %mul3A_162, %add3A_196 : vector<16xf32>
        %lt3A_198 = arith.constant 0.000000e+00 : f32
        %lt3A_199 = vector.broadcast %lt3A_198 : f32 to vector<16xf32>
        %lt3A_200 = arith.cmpf olt, %min3A_129, %lt3A_199 : vector<16xf32>
        %sub3A_201 = arith.constant 3.14159274 : f32
        %sub3A_202 = vector.broadcast %sub3A_201 : f32 to vector<16xf32>
        %sub3A_203 = arith.subf %sub3A_202, %mul3A_197 : vector<16xf32>
        %select_n3A_204 = arith.select %lt3A_200, %sub3A_203, %mul3A_197 : vector<16xi1>, vector<16xf32>
        %mul3A_205 = arith.constant 0.636619746 : f32
        %mul3A_206 = vector.broadcast %mul3A_205 : f32 to vector<16xf32>
        %mul3A_207 = arith.mulf %select_n3A_204, %mul3A_206 : vector<16xf32>
        %div3A_208 = arith.constant 5.000000e-02 : f32
        %div3A_209 = vector.broadcast %div3A_208 : f32 to vector<16xf32>
        %div3A_210 = arith.divf %get3A_51, %div3A_209 : vector<16xf32>
        %jit3A_211 = arith.constant 0.000000e+00 : f32
        %jit3A_212 = arith.constant 1.99999905 : f32
        %max3A_213 = vector.broadcast %jit3A_211 : f32 to vector<16xf32>
        %max3A_214 = arith.maximumf %max3A_213, %div3A_210 : vector<16xf32>
        %min3A_215 = vector.broadcast %jit3A_212 : f32 to vector<16xf32>
        %min3A_216 = arith.minimumf %min3A_215, %max3A_214 : vector<16xf32>
        %convert_element_type3A = arith.fptosi %mul3A_119 : vector<16xf32> to vector<16xi32>
        %convert_element_type3A_217 = arith.fptosi %mul3A_207 : vector<16xf32> to vector<16xi32>
        %convert_element_type3A_218 = arith.fptosi %min3A_216 : vector<16xf32> to vector<16xi32>
        %convert_element_type3A_219 = arith.sitofp %convert_element_type3A : vector<16xi32> to vector<16xf32>
        %sub3A_220 = arith.subf %mul3A_119, %convert_element_type3A_219 : vector<16xf32>
        %convert_element_type3A_221 = arith.sitofp %convert_element_type3A_217 : vector<16xi32> to vector<16xf32>
        %sub3A_222 = arith.subf %mul3A_207, %convert_element_type3A_221 : vector<16xf32>
        %convert_element_type3A_223 = arith.sitofp %convert_element_type3A_218 : vector<16xi32> to vector<16xf32>
        %sub3A_224 = arith.subf %min3A_216, %convert_element_type3A_223 : vector<16xf32>
        %sub3A_225 = arith.constant 1.000000e+00 : f32
        %sub3A_226 = vector.broadcast %sub3A_225 : f32 to vector<16xf32>
        %sub3A_227 = arith.subf %sub3A_226, %sub3A_220 : vector<16xf32>
        %sub3A_228 = arith.constant 1.000000e+00 : f32
        %sub3A_229 = vector.broadcast %sub3A_228 : f32 to vector<16xf32>
        %sub3A_230 = arith.subf %sub3A_229, %sub3A_222 : vector<16xf32>
        %sub3A_231 = arith.constant 1.000000e+00 : f32
        %sub3A_232 = vector.broadcast %sub3A_231 : f32 to vector<16xf32>
        %sub3A_233 = arith.subf %sub3A_232, %sub3A_224 : vector<16xf32>
        %mul3A_234 = arith.mulf %sub3A_227, %sub3A_230 : vector<16xf32>
        %mul3A_235 = arith.mulf %sub3A_220, %sub3A_230 : vector<16xf32>
        %mul3A_236 = arith.mulf %sub3A_227, %sub3A_222 : vector<16xf32>
        %mul3A_237 = arith.mulf %sub3A_220, %sub3A_222 : vector<16xf32>
        %mul3A_238 = arith.mulf %mul3A_234, %sub3A_233 : vector<16xf32>
        %mul3A_239 = arith.mulf %mul3A_235, %sub3A_233 : vector<16xf32>
        %mul3A_240 = arith.mulf %mul3A_236, %sub3A_233 : vector<16xf32>
        %mul3A_241 = arith.mulf %mul3A_237, %sub3A_233 : vector<16xf32>
        %mul3A_242 = arith.mulf %mul3A_234, %sub3A_224 : vector<16xf32>
        %mul3A_243 = arith.mulf %mul3A_235, %sub3A_224 : vector<16xf32>
        %mul3A_244 = arith.mulf %mul3A_236, %sub3A_224 : vector<16xf32>
        %mul3A_245 = arith.mulf %mul3A_237, %sub3A_224 : vector<16xf32>
        %and3A = arith.constant 3 : i32
        %and3A_246 = vector.broadcast %and3A : i32 to vector<16xi32>
        %and3A_247 = arith.andi %convert_element_type3A, %and3A_246 : vector<16xi32>
        %shift_left3A = arith.constant 2 : i32
        %shift_left3A_248 = vector.broadcast %shift_left3A : i32 to vector<16xi32>
        %shift_left3A_249 = arith.shli %and3A_247, %shift_left3A_248 : vector<16xi32>
        %add3A_250 = arith.constant 1 : i32
        %add3A_251 = vector.broadcast %add3A_250 : i32 to vector<16xi32>
        %add3A_252 = arith.addi %convert_element_type3A, %add3A_251 : vector<16xi32>
        %and3A_253 = arith.constant 3 : i32
        %and3A_254 = vector.broadcast %and3A_253 : i32 to vector<16xi32>
        %and3A_255 = arith.andi %add3A_252, %and3A_254 : vector<16xi32>
        %shift_left3A_256 = arith.constant 2 : i32
        %shift_left3A_257 = vector.broadcast %shift_left3A_256 : i32 to vector<16xi32>
        %shift_left3A_258 = arith.shli %and3A_255, %shift_left3A_257 : vector<16xi32>
        %min3A_259 = arith.constant 1 : i32
        %min3A_260 = vector.broadcast %min3A_259 : i32 to vector<16xi32>
        %min3A_261 = arith.minsi %convert_element_type3A_217, %min3A_260 : vector<16xi32>
        %shift_left3A_262 = arith.constant 1 : i32
        %shift_left3A_263 = vector.broadcast %shift_left3A_262 : i32 to vector<16xi32>
        %shift_left3A_264 = arith.shli %min3A_261, %shift_left3A_263 : vector<16xi32>
        %min3A_265 = arith.constant 1 : i32
        %min3A_266 = vector.broadcast %min3A_265 : i32 to vector<16xi32>
        %min3A_267 = arith.minsi %convert_element_type3A_218, %min3A_266 : vector<16xi32>
        %add3A_268 = arith.addi %shift_left3A_249, %shift_left3A_264 : vector<16xi32>
        %add3A_269 = arith.addi %shift_left3A_258, %shift_left3A_264 : vector<16xi32>
        %add3A_270 = arith.constant 2 : i32
        %add3A_271 = vector.broadcast %add3A_270 : i32 to vector<16xi32>
        %add3A_272 = arith.addi %shift_left3A_249, %add3A_271 : vector<16xi32>
        %add3A_273 = arith.constant 2 : i32
        %add3A_274 = vector.broadcast %add3A_273 : i32 to vector<16xi32>
        %add3A_275 = arith.addi %shift_left3A_258, %add3A_274 : vector<16xi32>
        %add3A_276 = arith.addi %add3A_268, %min3A_267 : vector<16xi32>
        %add3A_277 = arith.addi %add3A_269, %min3A_267 : vector<16xi32>
        %add3A_278 = arith.addi %add3A_272, %min3A_267 : vector<16xi32>
        %add3A_279 = arith.addi %add3A_275, %min3A_267 : vector<16xi32>
        %add3A_280 = arith.constant 1 : i32
        %add3A_281 = vector.broadcast %add3A_280 : i32 to vector<16xi32>
        %add3A_282 = arith.addi %add3A_268, %add3A_281 : vector<16xi32>
        %add3A_283 = arith.constant 1 : i32
        %add3A_284 = vector.broadcast %add3A_283 : i32 to vector<16xi32>
        %add3A_285 = arith.addi %add3A_269, %add3A_284 : vector<16xi32>
        %add3A_286 = arith.constant 1 : i32
        %add3A_287 = vector.broadcast %add3A_286 : i32 to vector<16xi32>
        %add3A_288 = arith.addi %add3A_272, %add3A_287 : vector<16xi32>
        %add3A_289 = arith.constant 1 : i32
        %add3A_290 = vector.broadcast %add3A_289 : i32 to vector<16xi32>
        %add3A_291 = arith.addi %add3A_275, %add3A_290 : vector<16xi32>
        %shift_left3A_292 = arith.constant 3 : i32
        %shift_left3A_293 = vector.broadcast %shift_left3A_292 : i32 to vector<16xi32>
        %shift_left3A_294 = arith.shli %add3A_18, %shift_left3A_293 : vector<16xi32>
        %add3A_295 = arith.constant 0 : i32
        %add3A_296 = vector.broadcast %add3A_295 : i32 to vector<16xi32>
        %add3A_297 = arith.addi %shift_left3A_294, %add3A_296 : vector<16xi32>
        tpu.vector_store_idx %arg12[%add3A_297], %add3A_276 : memref<4096xi32, #tpu.memory_space<vmem>>[vector<16xi32>], vector<16xi32>,
        %add3A_298 = arith.constant 0 : i32
        %add3A_299 = vector.broadcast %add3A_298 : i32 to vector<16xi32>
        %add3A_300 = arith.addi %shift_left3A_294, %add3A_299 : vector<16xi32>
        tpu.vector_store_idx %arg13[%add3A_300], %mul3A_238 : memref<4096xf32, #tpu.memory_space<vmem>>[vector<16xi32>], vector<16xf32>,
        %add3A_301 = arith.constant 1 : i32
        %add3A_302 = vector.broadcast %add3A_301 : i32 to vector<16xi32>
        %add3A_303 = arith.addi %shift_left3A_294, %add3A_302 : vector<16xi32>
        tpu.vector_store_idx %arg12[%add3A_303], %add3A_277 : memref<4096xi32, #tpu.memory_space<vmem>>[vector<16xi32>], vector<16xi32>,
        %add3A_304 = arith.constant 1 : i32
        %add3A_305 = vector.broadcast %add3A_304 : i32 to vector<16xi32>
        %add3A_306 = arith.addi %shift_left3A_294, %add3A_305 : vector<16xi32>
        tpu.vector_store_idx %arg13[%add3A_306], %mul3A_239 : memref<4096xf32, #tpu.memory_space<vmem>>[vector<16xi32>], vector<16xf32>,
        %add3A_307 = arith.constant 2 : i32
        %add3A_308 = vector.broadcast %add3A_307 : i32 to vector<16xi32>
        %add3A_309 = arith.addi %shift_left3A_294, %add3A_308 : vector<16xi32>
        tpu.vector_store_idx %arg12[%add3A_309], %add3A_278 : memref<4096xi32, #tpu.memory_space<vmem>>[vector<16xi32>], vector<16xi32>,
        %add3A_310 = arith.constant 2 : i32
        %add3A_311 = vector.broadcast %add3A_310 : i32 to vector<16xi32>
        %add3A_312 = arith.addi %shift_left3A_294, %add3A_311 : vector<16xi32>
        tpu.vector_store_idx %arg13[%add3A_312], %mul3A_240 : memref<4096xf32, #tpu.memory_space<vmem>>[vector<16xi32>], vector<16xf32>,
        %add3A_313 = arith.constant 3 : i32
        %add3A_314 = vector.broadcast %add3A_313 : i32 to vector<16xi32>
        %add3A_315 = arith.addi %shift_left3A_294, %add3A_314 : vector<16xi32>
        tpu.vector_store_idx %arg12[%add3A_315], %add3A_279 : memref<4096xi32, #tpu.memory_space<vmem>>[vector<16xi32>], vector<16xi32>,
        %add3A_316 = arith.constant 3 : i32
        %add3A_317 = vector.broadcast %add3A_316 : i32 to vector<16xi32>
        %add3A_318 = arith.addi %shift_left3A_294, %add3A_317 : vector<16xi32>
        tpu.vector_store_idx %arg13[%add3A_318], %mul3A_241 : memref<4096xf32, #tpu.memory_space<vmem>>[vector<16xi32>], vector<16xf32>,
        %add3A_319 = arith.constant 4 : i32
        %add3A_320 = vector.broadcast %add3A_319 : i32 to vector<16xi32>
        %add3A_321 = arith.addi %shift_left3A_294, %add3A_320 : vector<16xi32>
        tpu.vector_store_idx %arg12[%add3A_321], %add3A_282 : memref<4096xi32, #tpu.memory_space<vmem>>[vector<16xi32>], vector<16xi32>,
        %add3A_322 = arith.constant 4 : i32
        %add3A_323 = vector.broadcast %add3A_322 : i32 to vector<16xi32>
        %add3A_324 = arith.addi %shift_left3A_294, %add3A_323 : vector<16xi32>
        tpu.vector_store_idx %arg13[%add3A_324], %mul3A_242 : memref<4096xf32, #tpu.memory_space<vmem>>[vector<16xi32>], vector<16xf32>,
        %add3A_325 = arith.constant 5 : i32
        %add3A_326 = vector.broadcast %add3A_325 : i32 to vector<16xi32>
        %add3A_327 = arith.addi %shift_left3A_294, %add3A_326 : vector<16xi32>
        tpu.vector_store_idx %arg12[%add3A_327], %add3A_285 : memref<4096xi32, #tpu.memory_space<vmem>>[vector<16xi32>], vector<16xi32>,
        %add3A_328 = arith.constant 5 : i32
        %add3A_329 = vector.broadcast %add3A_328 : i32 to vector<16xi32>
        %add3A_330 = arith.addi %shift_left3A_294, %add3A_329 : vector<16xi32>
        tpu.vector_store_idx %arg13[%add3A_330], %mul3A_243 : memref<4096xf32, #tpu.memory_space<vmem>>[vector<16xi32>], vector<16xf32>,
        %add3A_331 = arith.constant 6 : i32
        %add3A_332 = vector.broadcast %add3A_331 : i32 to vector<16xi32>
        %add3A_333 = arith.addi %shift_left3A_294, %add3A_332 : vector<16xi32>
        tpu.vector_store_idx %arg12[%add3A_333], %add3A_288 : memref<4096xi32, #tpu.memory_space<vmem>>[vector<16xi32>], vector<16xi32>,
        %add3A_334 = arith.constant 6 : i32
        %add3A_335 = vector.broadcast %add3A_334 : i32 to vector<16xi32>
        %add3A_336 = arith.addi %shift_left3A_294, %add3A_335 : vector<16xi32>
        tpu.vector_store_idx %arg13[%add3A_336], %mul3A_244 : memref<4096xf32, #tpu.memory_space<vmem>>[vector<16xi32>], vector<16xf32>,
        %add3A_337 = arith.constant 7 : i32
        %add3A_338 = vector.broadcast %add3A_337 : i32 to vector<16xi32>
        %add3A_339 = arith.addi %shift_left3A_294, %add3A_338 : vector<16xi32>
        tpu.vector_store_idx %arg12[%add3A_339], %add3A_291 : memref<4096xi32, #tpu.memory_space<vmem>>[vector<16xi32>], vector<16xi32>,
        %add3A_340 = arith.constant 7 : i32
        %add3A_341 = vector.broadcast %add3A_340 : i32 to vector<16xi32>
        %add3A_342 = arith.addi %shift_left3A_294, %add3A_341 : vector<16xi32>
        tpu.vector_store_idx %arg13[%add3A_342], %mul3A_245 : memref<4096xf32, #tpu.memory_space<vmem>>[vector<16xi32>], vector<16xf32>,
      }
      %scan3A_13 = arith.constant 32 : i32
      "tpu.region"() ({
        %run_scoped3A = tpu.sem_alloc : memref<!tpu.dma_semaphore, #tpu.memory_space<semaphore_mem>>
        %dma_start3A = arith.constant 0 : i32
        %dma_start3A_14 = tpu.memref_slice %arg6[%add3A, %scan3A_7, %dma_start3A] : memref<32x128x4096xi32, #tpu.memory_space<hbm>> -> memref<1x1x4096xi32, #tpu.memory_space<hbm>>
        %dma_start3A_15 = tpu.memref_squeeze %dma_start3A_14 : memref<1x1x4096xi32, #tpu.memory_space<hbm>> -> memref<4096xi32, #tpu.memory_space<hbm>>
        %dma_start3A_16 = arith.constant 0 : i32
        %dma_start3A_17 = tpu.memref_slice %arg6[%add3A, %scan3A_7, %dma_start3A_16] : memref<32x128x4096xi32, #tpu.memory_space<hbm>> -> memref<1x1x4096xi32, #tpu.memory_space<hbm>>
        %dma_start3A_18 = tpu.memref_squeeze %dma_start3A_17 : memref<1x1x4096xi32, #tpu.memory_space<hbm>> -> memref<4096xi32, #tpu.memory_space<hbm>>
        tpu.enqueue_dma source(%arg12 : memref<4096xi32, #tpu.memory_space<vmem>>) target(%dma_start3A_18 : memref<4096xi32, #tpu.memory_space<hbm>>) target_semaphore(%run_scoped3A : memref<!tpu.dma_semaphore, #tpu.memory_space<semaphore_mem>>)
        %dma_wait3A = arith.constant 0 : i32
        %dma_wait3A_19 = tpu.memref_slice %arg6[%add3A, %scan3A_7, %dma_wait3A] : memref<32x128x4096xi32, #tpu.memory_space<hbm>> -> memref<1x1x4096xi32, #tpu.memory_space<hbm>>
        %dma_wait3A_20 = tpu.memref_squeeze %dma_wait3A_19 : memref<1x1x4096xi32, #tpu.memory_space<hbm>> -> memref<4096xi32, #tpu.memory_space<hbm>>
        %dma_wait3A_21 = arith.constant 0 : i32
        %dma_wait3A_22 = tpu.memref_slice %arg6[%add3A, %scan3A_7, %dma_wait3A_21] : memref<32x128x4096xi32, #tpu.memory_space<hbm>> -> memref<1x1x4096xi32, #tpu.memory_space<hbm>>
        %dma_wait3A_23 = tpu.memref_squeeze %dma_wait3A_22 : memref<1x1x4096xi32, #tpu.memory_space<hbm>> -> memref<4096xi32, #tpu.memory_space<hbm>>
        tpu.wait_dma2 semaphore(%run_scoped3A : memref<!tpu.dma_semaphore, #tpu.memory_space<semaphore_mem>>) src(%arg12 : memref<4096xi32, #tpu.memory_space<vmem>>) dst(%dma_wait3A_23 : memref<4096xi32, #tpu.memory_space<hbm>>)
        tpu.yield
      }) : () -> ()
      "tpu.region"() ({
        %run_scoped3A = tpu.sem_alloc : memref<!tpu.dma_semaphore, #tpu.memory_space<semaphore_mem>>
        %dma_start3A = arith.constant 0 : i32
        %dma_start3A_14 = tpu.memref_slice %arg7[%add3A, %scan3A_7, %dma_start3A] : memref<32x128x4096xf32, #tpu.memory_space<hbm>> -> memref<1x1x4096xf32, #tpu.memory_space<hbm>>
        %dma_start3A_15 = tpu.memref_squeeze %dma_start3A_14 : memref<1x1x4096xf32, #tpu.memory_space<hbm>> -> memref<4096xf32, #tpu.memory_space<hbm>>
        %dma_start3A_16 = arith.constant 0 : i32
        %dma_start3A_17 = tpu.memref_slice %arg7[%add3A, %scan3A_7, %dma_start3A_16] : memref<32x128x4096xf32, #tpu.memory_space<hbm>> -> memref<1x1x4096xf32, #tpu.memory_space<hbm>>
        %dma_start3A_18 = tpu.memref_squeeze %dma_start3A_17 : memref<1x1x4096xf32, #tpu.memory_space<hbm>> -> memref<4096xf32, #tpu.memory_space<hbm>>
        tpu.enqueue_dma source(%arg13 : memref<4096xf32, #tpu.memory_space<vmem>>) target(%dma_start3A_18 : memref<4096xf32, #tpu.memory_space<hbm>>) target_semaphore(%run_scoped3A : memref<!tpu.dma_semaphore, #tpu.memory_space<semaphore_mem>>)
        %dma_wait3A = arith.constant 0 : i32
        %dma_wait3A_19 = tpu.memref_slice %arg7[%add3A, %scan3A_7, %dma_wait3A] : memref<32x128x4096xf32, #tpu.memory_space<hbm>> -> memref<1x1x4096xf32, #tpu.memory_space<hbm>>
        %dma_wait3A_20 = tpu.memref_squeeze %dma_wait3A_19 : memref<1x1x4096xf32, #tpu.memory_space<hbm>> -> memref<4096xf32, #tpu.memory_space<hbm>>
        %dma_wait3A_21 = arith.constant 0 : i32
        %dma_wait3A_22 = tpu.memref_slice %arg7[%add3A, %scan3A_7, %dma_wait3A_21] : memref<32x128x4096xf32, #tpu.memory_space<hbm>> -> memref<1x1x4096xf32, #tpu.memory_space<hbm>>
        %dma_wait3A_23 = tpu.memref_squeeze %dma_wait3A_22 : memref<1x1x4096xf32, #tpu.memory_space<hbm>> -> memref<4096xf32, #tpu.memory_space<hbm>>
        tpu.wait_dma2 semaphore(%run_scoped3A : memref<!tpu.dma_semaphore, #tpu.memory_space<semaphore_mem>>) src(%arg13 : memref<4096xf32, #tpu.memory_space<vmem>>) dst(%dma_wait3A_23 : memref<4096xf32, #tpu.memory_space<hbm>>)
        tpu.yield
      }) : () -> ()
    }
    %scan3A_6 = arith.constant 128 : i32
    return
  }
}

</mosaic_0001>

<sc_bundles>
// kernel: kernel.3.cloned.1.call-start
scs
__scs_entry_jumppad:
0x0: {  	(pc) =	sbr.rel $0x88, $3  }
0x1: {  	(tag) =	ssettag $0x0;
	lr =	simm.s32 $0x1  }
0x2: {  	[smem:$0x3F9D] =	sst lr;
	_ =	strace $0xD0000000  }
0x3: {  	_ = 	snop  }
0x4: {  	_ = 	snop  }
0x5: {  	_ = 	snop  }
0x6: {  	_ = 	snop  }
0x7: {  	_ = 	snop  }
__scs_overlays_trampoline_lowered:
0x8: {  	[smem:$0x3FAC] =	sst s0  }
0x9: {  	[smem:$0x3FAD] =	sst s1  }
0xa: {  	[smem:$0x3FAE] =	sst s2  }
0xb: {  	[smem:$0x3FAF] =	sst s3  }
0xc: {  	[smem:$0x3FB0] =	sst s4  }
0xd: {  	[smem:$0x3FB1] =	sst s5  }
0xe: {  	[smem:$0x3FB2] =	sst s6  }
0xf: {  	[smem:$0x3FB3] =	sst s7  }
0x10: {  	[smem:$0x3FB4] =	sst s8  }
0x11: {  	[smem:$0x3FB5] =	sst s9;
	s0 =	simm.s32 @!p0 $0x0  }
0x12: {  	s1 =	sld [smem:$0x3F9B];
	s0 =	simm.s32 @p0 $0x1  }
0x13: {  	[smem:$0x3FB6] =	sst s0;
	s0 =	simm.s32 @!p1 $0x0  }
0x14: {  	s2 =	sld [smem:$0x3F9A];
	s0 =	simm.s32 @p1 $0x1  }
0x15: {  	[smem:$0x3FB7] =	sst s0;
	s0 =	simm.s32 @!p2 $0x0  }
0x16: {  	s3 =	sld [smem:$0x3FDB];
	s0 =	simm.s32 @p2 $0x1  }
0x17: {  	s4 =	simm.s32 $0x1BF5;
	[smem:$0x3FB9] =	sst s0  }
0x18: {  	s0 =	sld [smem:$0x3F9C];
	_ =	swait.ge [sflag:s4], $0x0  }
0x19: {  	s7 =	sld [smem:$0x3F9D]  }
0x1a: {  	s8 =	sadd.s32 $0xFFFFE003, lr  }
0x1b: {  	s9 =	sadd.s32 $0xFFFFFEF7, lr;
	s5 =	simm.s32 $0xFFFFFFFF;
	p2 =	slt.u32 s8, $0xFFFFF086  }
0x1c: {  	p1 =	slt.u32 s9, $0xF7A;
	s5 =	simm.s32 @!p2 $0x0  }
0x1d: {  	s5 =	simm.s32 @p1 $0x1;
	p0 =	seq.s32 s7, s2  }
0x1e: {  	s7 =	smul.u32 @!p0 $0xF7A, s2;
	p2 =	seq.s32 @!p0 s5, $0x0  }
0x1f: {  	s9 =	smul.u32 $0xF7A, s1;
	s8 =	simm.s32 @!p0 $0x1BF5;
	p2 =	por !p2, p0  }
0x20: {  	[sflag:s8] =	ssyncset.s32 @!p0 $0xFFFFF086;
	s6 =	sadd.s32 @!p0 s3, s7;
	s7 =	simm.s32 @!p0 $0x108  }
0x21: {  	s3 =	sadd.s32 s3, s9;
	s6 =	sadd.s32 @!p0 $0x88, s6;
	s7 =	simm.s32 @p2 $0x1082  }
0x22: {  	[simem:s7], [sflag:s8] =	dma.local @!p0 [hbm:s6], $0xF7A  }
0x23: {  	s9 =	sor.u32 $0xD0000000, s2;
	s6 =	simm.s32 $0x108;
	_ =	swait.ge @!p0 [sflag:s8], $0x0  }
0x24: {  	s3 =	sadd.s32 $0x88, s3;
	s6 =	simm.s32 @!p1 $0x1082;
	[sflag:s4] =	ssyncset.s32 $0xFFFFF086  }
0x25: {  	[simem:s6], [sflag:s4] =	dma.local [hbm:s3], $0xF7A  }
0x26: {  	[smem:$0x3F9D] =	sst s1;
	(tag) =	ssettag s2;
	_ =	strace s9  }
0x27: {  	s1 =	sld [smem:$0x3FAD]  }
0x28: {  	s2 =	sld [smem:$0x3FAE]  }
0x29: {  	s4 =	sld [smem:$0x3FB0]  }
0x2a: {  	p0 =	seq.s32 s5, $0x0;
	s5 =	sld [smem:$0x3FB1]  }
0x2b: {  	s6 =	sld [smem:$0x3FB2]  }
0x2c: {  	s7 =	sld [smem:$0x3FB3]  }
0x2d: {  	s3 =	simm.s32 $0x108;
	s8 =	sld [smem:$0x3FB4]  }
0x2e: {  	s3 =	simm.s32 @!p0 $0x1082;
	s9 =	sld [smem:$0x3FB5]  }
0x2f: {  	lr =	sadd.s32 s0, s3;
	s0 =	sld [smem:$0x3FAC]  }
0x30: {  	s3 =	sld [smem:$0x3FAF]  }
0x31: {  	[smem:$0x3FB8] =	sst s10  }
0x32: {  	s10 =	sld [smem:$0x3FB6];
	_ =	sdelay $0x3  }
0x33: {  	p0 =	seq.s32 s10, $0x1;
	s10 =	sld [smem:$0x3FB8];
	_ =	sdelay $0x3  }
0x34: {  	[smem:$0x3FB8] =	sst s10  }
0x35: {  	s10 =	sld [smem:$0x3FB7];
	_ =	sdelay $0x3  }
0x36: {  	p1 =	seq.s32 s10, $0x1;
	s10 =	sld [smem:$0x3FB8];
	_ =	sdelay $0x3  }
0x37: {  	[smem:$0x3FB8] =	sst s10  }
0x38: {  	s10 =	sld [smem:$0x3FB9]  }
0x39: {  	_ = 	snop;
	(pc) =	sbr.ind lr, $3  }
0x3a: {  	_ = 	snop  }
0x3b: {  	_ = 	snop  }
0x3c: {  	p2 =	seq.s32 s10, $0x1;
	s10 =	sld [smem:$0x3FB8]  }
0x3d: {  	_ =	shalt  }
0x3e: {  	_ =	shalt  }
0x3f: {  	_ =	shalt  }
0x40: {  	_ =	shalt  }
0x41: {  	_ =	shalt  }
0x42: {  	_ =	shalt  }
0x43: {  	_ =	shalt  }
0x44: {  	_ =	shalt  }
0x45: {  	_ =	shalt  }
0x46: {  	_ =	shalt  }
0x47: {  	_ =	shalt  }
0x48: {  	_ =	shalt  }
0x49: {  	_ =	shalt  }
0x4a: {  	_ =	shalt  }
0x4b: {  	_ =	shalt  }
0x4c: {  	_ =	shalt  }
0x4d: {  	_ =	shalt  }
0x4e: {  	_ =	shalt  }
0x4f: {  	_ =	shalt  }
0x50: {  	_ =	shalt  }
0x51: {  	_ =	shalt  }
0x52: {  	_ =	shalt  }
0x53: {  	_ =	shalt  }
0x54: {  	_ =	shalt  }
0x55: {  	_ =	shalt  }
0x56: {  	_ =	shalt  }
0x57: {  	_ =	shalt  }
0x58: {  	_ =	shalt  }
0x59: {  	_ =	shalt  }
0x5a: {  	_ =	shalt  }
0x5b: {  	_ =	shalt  }
0x5c: {  	_ =	shalt  }
0x5d: {  	_ =	shalt  }
0x5e: {  	_ =	shalt  }
0x5f: {  	_ =	shalt  }
0x60: {  	_ =	shalt  }
0x61: {  	_ =	shalt  }
0x62: {  	_ =	shalt  }
0x63: {  	_ =	shalt  }
0x64: {  	_ =	shalt  }
0x65: {  	_ =	shalt  }
0x66: {  	_ =	shalt  }
0x67: {  	_ =	shalt  }
0x68: {  	_ =	shalt  }
0x69: {  	_ =	shalt  }
0x6a: {  	_ =	shalt  }
0x6b: {  	_ =	shalt  }
0x6c: {  	_ =	shalt  }
0x6d: {  	_ =	shalt  }
0x6e: {  	_ =	shalt  }
0x6f: {  	_ =	shalt  }
0x70: {  	_ =	shalt  }
0x71: {  	_ =	shalt  }
0x72: {  	_ =	shalt  }
0x73: {  	_ =	shalt  }
0x74: {  	_ =	shalt  }
0x75: {  	_ =	shalt  }
0x76: {  	_ =	shalt  }
0x77: {  	_ =	shalt  }
0x78: {  	_ =	shalt  }
0x79: {  	_ =	shalt  }
0x7a: {  	_ =	shalt  }
0x7b: {  	_ =	shalt  }
0x7c: {  	_ =	shalt  }
0x7d: {  	_ =	shalt  }
0x7e: {  	_ =	shalt  }
0x7f: {  	_ =	shalt  }
0x80: {  	_ =	shalt  }
0x81: {  	_ =	shalt  }
0x82: {  	_ =	shalt  }
0x83: {  	_ =	shalt  }
0x84: {  	_ =	shalt  }
0x85: {  	_ =	shalt  }
0x86: {  	_ =	shalt  }
0x87: {  	_ =	shalt  }
.Lfunc_end0:
.L_simem_size_0:
called_computation.2_lowered:
.L_overlay_start_0:
0x88: {  	s2 =	sld [smem:$0x3FD9]  }
0x89: {  	s3 =	sld [smem:$0x3FFE];
	_ =	sdelay $0x1  }
0x8a: {  	s1 =	srdreg.scid  }
0x8b: {  	s0 =	sand.u32 $0x1, s1  }
0x8c: {  	s14 =	sshll.u32 s0, $0xA;
	s2 =	sadd.s32 s3, s2  }
0x8d: {  	s2 =	sadd.s32 s2, s14  }
0x8e: {  	[smem:$0x3FC4] =	sst s2  }
0x8f: {  	_ = 	snop  }
0x90: {  	s2 =	sld [smem:$0x3FD0];
	_ =	sdelay $0x2  }
0x91: {  	s15 =	simm.s32 $0xB;
	s4 =	simm.s32 $0x10  }
0x92: {  	[smem:s4], [sflag:s15] =	dma.local [hbm:s2], $0x1  }
0x93: {  	_ =	swait.eq [sflag:s15], $0x1  }
0x94: {  	[sflag:s15] =	ssyncset.done $0x0  }
0x95: {  	s16 =	sld [smem:$0x10];
	[sflag:s15] =	ssyncadd.s32 $0xFFFFFFFF  }
0x96: {  	s17 =	sld [smem:$0x11];
	(tm) =	ssettm $0x1  }
0x97: {  	s18 =	sld [smem:$0x3FFB];
	_ =	sdelay $0x3  }
0x98: {  	_ =	strace s18  }
0x99: {  	s4 =	sld [smem:$0x3FFC];
	_ =	sdelay $0x3  }
0x9a: {  	_ =	strace s4  }
0x9b: {  	s4 =	sld [smem:$0x3FFD];
	_ =	sdelay $0x3  }
0x9c: {  	_ =	strace s4  }
0x9d: {  	_ =	strace $0x8FFFFFFF  }
0x9e: {  	s19 =	sld [smem:$0x3FDB];
	_ =	sdelay $0x1  }
0x9f: {  	s5 =	simm.s32 $_scs_section_size  }
0xa0: {  	s6 =	simm.s32 $_size__tile_overlayer_lowered;
	s7 =	simm.s32 $_tile_overlayer_lowered  }
0xa1: {  	s22 =	simm.s32 $0x1BFF;
	s21 =	sshll.u32 s7, $0x1;
	s4 =	sadd.s32 s5, s19  }
0xa2: {  	s8 =	simm.s32 $0x0;
	s20 =	sshll.u32 s6, $0x1;
	s6 =	sadd.s32 s21, s4  }
0xa3: {  	[timem:s8], [sflag:s22] =	dma.local [hbm:s6], s20  }
0xa4: {  	_ =	swait.ge [sflag:s22], s20  }
0xa5: {  	s5 =	ssub.s32 $0x0, s20;
	[sflag:s22] =	ssyncset.done $0x0  }
0xa6: {  	[sflag:s22] =	ssyncadd.s32 s5;
	_ =	sdelay $0x1  }
0xa7: {  	s23 =	simm.s32 $0x1B8B  }
0xa8: {  	_ =	swait.ge [sflag:s23], $0x1  }
0xa9: {  	[sflag:s23] =	ssyncset.done $0x0  }
0xaa: {  	s25 =	simm.s32 $0x1B8E;
	s24 =	sld [smem:$0x3FFE];
	[sflag:s23] =	ssyncadd.s32 $0xFFFFFFFF  }
0xab: {  	s26 =	simm.s32 $execute0_lowered;
	[smem:$0x3FD2] =	sst s25  }
0xac: {  	s6 =	sshll.u32 s26, $0x1;
	_ =	strace $0x80000046;
	[dreg:$0x1] =	wrdreg $0xFFFFFFFF  }
0xad: {  	s28 =	simm.s32 $_size_execute0_lowered;
	s4 =	sadd.s32 s4, s6;
	[dreg:$0x0] =	wrdreg $0x0  }
0xae: {  	s6 =	sshll.u32 s28, $0x1;
	[dreg:$0x2] =	wrdreg s4  }
0xaf: {  	[dreg:$0x3] =	wrdreg s6  }
0xb0: {  	[dreg:$0x4] =	wrdreg $0xC0  }
0xb1: {  	_ =	task [dreg:s8], $0x5FFFF  }
0xb2: {  	[dreg:$0x1] =	wrdreg $0xFFFFFFFF  }
0xb3: {  	[dreg:$0x0] =	wrdreg $0x60  }
0xb4: {  	[dreg:$0x2] =	wrdreg s24  }
0xb5: {  	[dreg:$0x3] =	wrdreg s16  }
0xb6: {  	[dreg:$0x4] =	wrdreg s17  }
0xb7: {  	[dreg:$0x5] =	wrdreg $0x9  }
0xb8: {  	_ =	task.clear_ibuf [dreg:s8], $0x6FFFF;
	_ =	strace $0x90000046  }
0xb9: {  	s29 =	simm.s32 $0x9;
	_ =	strace $0x80000048  }
0xba: {  	_ =	swait.ge [sflag:s29], $0x1  }
0xbb: {  	[sflag:s29] =	ssyncadd.s32 $0xFFFFFFFF  }
0xbc: {  	_ =	strace $0x90000048  }
0xbd: {  	_ =	sfence  }
0xbe: {  	s30 =	sld [smem:$0x0];
	_ =	sdelay $0x2  }
0xbf: {  	s31 =	sshll.u32 s1, $0xD;
	s1 =	sshrl.u32 s1, $0x2  }
0xc0: {  	s3 =	sand.u32 $0x4000, s31;
	s1 =	sadd.s32 s1, s30  }
0xc1: {  	s0 =	sor.u32 s3, s0;
	s1 =	sshll.u32 s1, $0x11  }
0xc2: {  	s0 =	sor.u32 s1, s0  }
0xc3: {  	s0 =	sadd.s32 $0x8F2B, s0  }
0xc4: {  	[sflag:s0] =	ssyncadd.remote.s32 $0x1  }
0xc5: {  	_ =	sfence.sel $0xFFFF  }
0xc6: {  	[dreg:$0x0] =	wrdreg $0xFFFFFFFF;
	(pc) =	sbr.abs _section_cstart, $3  }
0xc7: {  	[dreg:$0x1] =	wrdreg $0xFFFFFFFF  }
0xc8: {  	_ =	task.clear_ibuf [dreg:s8], $0x2FFFF;
	_ =	strace $0x9FFFFFFF  }
0xc9: {  	(tm) =	ssettm $0x7FFFFFFF  }
tec
execute0_lowered:
.L_overlay_start_1:
0x0: {  	(tag) =	ssettag $0x1  }
0x1: {  	s6 =	rddreg [dreg:$0x0]  }
0x2: {  	s2 =	rddreg [dreg:$0x1]  }
0x3: {  	s3 =	rddreg [dreg:$0x2]  }
0x4: {  	s0 =	rddreg [dreg:$0x3];
	s4 =	simm.s32 $0x0  }
0x5: {  	[smem:$0x7FF] =	sst s4  }
0x6: {  	s1 =	stileid.u32;
	s5 =	srdreg.scid;
	v0 =	vimm.f32 $5.000000070e-02;
	_ =	strace $0x80000047  }
0x7: {  	s13 =	simm.s32 $0x400;
	s14 =	simm.s32 $0x1;
	s15 =	simm.s32 $0x18000;
	(erf) = vrcp.f32 v0  }
0x8: {  	s16 =	simm.s32 $0x19C00;
	s17 =	simm.s32 $0x1AC00;
	s18 =	simm.s32 $0x0  }
0x9: {  	s5 =	sand.u32 $0x1, s5;
	s7 =	sshll.u32 s1, $0x1;
	s28 =	sshrl.u32 s1, $0x2  }
0xa: {  	s9 =	sshll.u32 s1, $0x3;
	s10 =	sor.u32 s5, s7;
	s7 =	smul.u32 $0xC000, s28  }
0xb: {  	s29 =	sand.u32 $0x70, s9;
	s30 =	ssub.s32 $0x2, s5;
	s8 =	sshll.u32 s10, $0x7  }
0xc: {  	s5 =	sadd.s32 $0x8200, s6;
	s31 =	sshrl.u32 s30, $0x1;
	s8 =	sand.u32 $0x380, s8  }
0xd: {  	s9 =	sshll.u32 s10, $0x10;
	s10 =	sshll.u32 s10, $0x13;
	s7 =	sor.u32 s7, s8  }
0xe: {  	s12 =	ssub.s32 s30, s31;
	s8 =	sadd.s32 s29, s6;
	s7 =	sshrl.u32 s7, $0x3  }
0xf: {  	v1 =	vlaneseq.u32;
	s11 =	sadd.s32 s7, s6;
	s6 =	sadd.s32 $0x48200, s6;
	s7 =	sadd.s32 $0x88200, s8  }
0x10: {  	v1 =	vmul.u32 $0x8, v1;
	s8 =	sadd.s32 $0x2200, s11;
	s11 =	smax.u32 s12, $0x1;
	s12 =	simm.s32 $0x80;
	v0 =	vpop (erf)  }
.LBB2_1:
0x11: {  	[tilespmem:s4], [sflag:$0x1] =	stream.strided.gather [hbm4b:s7+s12], $0x18000, s13, s12, $0x38;
	[tilespmem:$0x1BC00] =	vst v63  }
0x12: {  	_ =	swait.ge [sflag:s14], $0x18000  }
0x13: {  	[sflag:s14] =	ssyncset.done $0x0  }
0x14: {  	[sflag:s14] =	ssyncadd.s32 $0xFFFE8000  }
0x15: {  	[tilespmem:s15], [sflag:$0x1] =	stream.strided.gather [hbm4b:s8+s12], $0x1800, s13, s12, $0x38;
	[tilespmem:$0x1BC00] =	vst v63  }
0x16: {  	_ =	swait.ge [sflag:s14], $0x1800  }
0x17: {  	[sflag:s14] =	ssyncset.done $0x0  }
0x18: {  	s19 =	simm.s32 $0x0;
	[sflag:s14] =	ssyncadd.s32 $0xFFFFE800  }
.LBB2_2:
0x19: {  	s20 =	sshrl.u32 s19, $0x3  }
0x1a: {  	s21 =	sshll.u32 s19, $0x7;
	s22 =	sshll.u32 s20, $0xC  }
0x1b: {  	s21 =	sand.u32 $0x380, s21;
	s22 =	sadd.s32 s9, s22  }
0x1c: {  	s22 =	sor.u32 s21, s22  }
0x1d: {  	s23 =	sshrl.u32 s22, $0x3  }
0x1e: {  	s22 =	simm.s32 $0x19800;
	s24 =	sadd.s32 s5, s23  }
0x1f: {  	[tilespmem:s22], [sflag:$0x1] =	stream.strided.gather [hbm4b:s24+s12], $0x200, s13, s12, $0x38;
	[tilespmem:$0x1BC00] =	vst v63  }
0x20: {  	_ =	swait.ge [sflag:s14], $0x200  }
0x21: {  	[sflag:s14] =	ssyncset.done $0x0  }
0x22: {  	s30 =	sadd.s32 s6, s23;
	s23 =	simm.s32 $0x19A00;
	[sflag:s14] =	ssyncadd.s32 $0xFFFFFE00  }
0x23: {  	[tilespmem:s23], [sflag:$0x1] =	stream.strided.gather [hbm4b:s30+s12], $0x200, s13, s12, $0x38;
	[tilespmem:$0x1BC00] =	vst v63  }
0x24: {  	_ =	swait.ge [sflag:s14], $0x200  }
0x25: {  	[sflag:s14] =	ssyncset.done $0x0  }
0x26: {  	s31 =	simm.s32 $0x0;
	[sflag:s14] =	ssyncadd.s32 $0xFFFFFE00  }
0x27: {  	s25 =	sshll.u32 s19, $0x4;
	v3 =	vmov s31;
	v4 =	vld [tilespmem:s22+$0x0]  }
0x28: {  	v2 =	vmov s25;
	v5 =	vshrl.u32 v3, $0x5  }
0x29: {  	v5 =	vor.u32 v2, v5  }
0x2a: {  	v5 =	vmul.u32 $0x3, v5;
	_ =	sdelay $0x1  }
0x2b: {  	v6 =	vadd.s32 $0x1, v5;
	v4 =	vmul.u32 $0x3, v4;
	_ =	sdelay $0x1  }
0x2c: {  	v7 =	vadd.s32 $0x1, v4;
	_ =	sdelay $0x1  }
0x2d: {  	v8 =	vld.idx.msk [tilespmem:v5+s15+$0x0], $0xffff  }
0x2e: {  	v6 =	vld.idx.msk [tilespmem:v6+s15+$0x0], $0xffff  }
0x2f: {  	v9 =	vld.idx.msk [tilespmem:v4+s4+$0x0], $0xffff  }
0x30: {  	v7 =	vld.idx.msk [tilespmem:v7+s4+$0x0], $0xffff;
	_ =	sdelay $0x4  }
0x31: {  	v8 =	vsub.f32 v9, v8;
	v6 =	vsub.f32 v7, v6;
	_ =	sdelay $0x1  }
0x32: {  	v7 =	vand.u32 $0x7FFFFFFF, v8;
	v34 =	vand.u32 $0x7FFFFFFF, v6  }
0x33: {  	v10 =	vmax.f32 v7, v34  }
0x34: {  	(erf) = vrcp.f32 v10;
	_ =	sdelay $0x4  }
0x35: {  	v11 =	vld [tilespmem:s23+$0x0];
	_ =	sdelay $0x3  }
0x36: {  	v5 =	vadd.s32 $0x2, v5;
	v12 =	vmin.f32 v7, v34;
	v13 =	vpop (erf)  }
0x37: {  	v14 =	vadd.f32 $9.999999930e-09, v11;
	v4 =	vadd.s32 $0x2, v4;
	v12 =	vmul.f32 v13, v12  }
0x38: {  	vm0 =	vgt.f32 v10, $0.0e+00  }
0x39: {  	(erf) = vrcp.f32 v14;
	v10 =	vnsel vm0, $0x0, v12  }
0x3a: {  	v12 =	vmul.f32 v10, v10  }
0x3b: {  	v5 =	vld.idx.msk [tilespmem:v5+s15+$0x0], $0xffff  }
0x3c: {  	v4 =	vld.idx.msk [tilespmem:v4+s4+$0x0], $0xffff;
	v35 =	vmul.f32 $-1.743701170e-03, v12;
	_ =	sdelay $0x1  }
0x3d: {  	v13 =	vadd.f32 $1.068071930e-02, v35;
	_ =	sdelay $0x1  }
0x3e: {  	v13 =	vmul.f32 v13, v12  }
0x3f: {  	v4 =	vsub.f32 v4, v5  }
0x40: {  	v5 =	vpop (erf);
	v13 =	vadd.f32 $-3.071750890e-02, v13  }
0x41: {  	v4 =	vmul.f32 v5, v4  }
0x42: {  	v5 =	vmul.f32 v13, v12  }
0x43: {  	v4 =	vmax.f32 v4, $-1.000000000e+00  }
0x44: {  	v4 =	vmin.f32 v4, $1.000000000e+00;
	v5 =	vadd.f32 $5.746355650e-02, v5  }
0x45: {  	v36 =	vand.u32 $0x7FFFFFFF, v4  }
0x46: {  	v37 =	vmul.f32 $6.993961280e-04, v36;
	v5 =	vmul.f32 v5, v12  }
0x47: {  	v15 =	vsub.f32 $1.000000000e+00, v36  }
0x48: {  	v14 =	vadd.f32 $-4.034589510e-03, v37;
	v5 =	vadd.f32 $-8.372063930e-02, v5  }
0x49: {  	v16 =	vshra.s32 v15, $0x1;
	v17 =	vmul.f32 $5.000000000e-01, v15  }
0x4a: {  	v16 =	vsub.s32 $0x5F3759DF, v16;
	v14 =	vmul.f32 v14, v36;
	v5 =	vmul.f32 v5, v12  }
0x4b: {  	v18 =	vmul.f32 v16, v17  }
0x4c: {  	v14 =	vadd.f32 $1.112695970e-02, v14;
	v5 =	vadd.f32 $1.094019860e-01, v5  }
0x4d: {  	v18 =	vmul.f32 v16, v18  }
0x4e: {  	v14 =	vmul.f32 v14, v36;
	v5 =	vmul.f32 v5, v12  }
0x4f: {  	v18 =	vsub.f32 $1.500000000e+00, v18  }
0x50: {  	v14 =	vadd.f32 $-2.081215010e-02, v14;
	v5 =	vadd.f32 $-1.426157360e-01, v5  }
0x51: {  	v16 =	vmul.f32 v16, v18  }
0x52: {  	v14 =	vmul.f32 v14, v36;
	v5 =	vmul.f32 v5, v12  }
0x53: {  	v18 =	vmul.f32 v16, v17  }
0x54: {  	v14 =	vadd.f32 $3.261138500e-02, v14;
	v5 =	vadd.f32 $1.999823000e-01, v5  }
0x55: {  	v18 =	vmul.f32 v18, v16  }
0x56: {  	v14 =	vmul.f32 v14, v36;
	v5 =	vmul.f32 v5, v12  }
0x57: {  	v18 =	vsub.f32 $1.500000000e+00, v18  }
0x58: {  	v14 =	vadd.f32 $-5.060400440e-02, v14;
	v5 =	vadd.f32 $-3.333328370e-01, v5  }
0x59: {  	v16 =	vmul.f32 v18, v16  }
0x5a: {  	v14 =	vmul.f32 v14, v36;
	v5 =	vmul.f32 v5, v12  }
0x5b: {  	v38 =	vmul.f32 v16, v17  }
0x5c: {  	v14 =	vadd.f32 $8.903147280e-02, v14;
	v5 =	vadd.f32 $1.000000000e+00, v5  }
0x5d: {  	v12 =	vmul.f32 v38, v16  }
0x5e: {  	v14 =	vmul.f32 v14, v36;
	v5 =	vmul.f32 v5, v10  }
0x5f: {  	v39 =	vsub.f32 $1.500000000e+00, v12  }
0x60: {  	v40 =	vadd.f32 $-2.146012340e-01, v14;
	v41 =	vsub.f32 $1.570796370e+00, v5  }
0x61: {  	vm11 =	vgt.f32 v34, v7  }
0x62: {  	v7 =	vmul.f32 v39, v16;
	v42 =	vmul.f32 v40, v36;
	v5 =	vsel vm11, v41, v5  }
0x63: {  	v43 =	vsub.f32 $3.141592740e+00, v5  }
0x64: {  	vm12 =	vlt.f32 v8, $0.0e+00;
	v7 =	vmul.f32 v7, v15;
	v9 =	vadd.f32 $1.570796370e+00, v42  }
0x65: {  	v5 =	vsel vm12, v43, v5  }
0x66: {  	v8 =	vmul.f32 v11, v0;
	v7 =	vmul.f32 v7, v9;
	v44 =	vsub.f32 $0.0e+00, v5  }
0x67: {  	vm13 =	vlt.f32 v6, $0.0e+00  }
0x68: {  	v6 =	vmax.f32 v8, $0.0e+00;
	v8 =	vsub.f32 $3.141592740e+00, v7;
	v5 =	vsel vm13, v44, v5  }
0x69: {  	vm14 =	vlt.f32 v4, $0.0e+00;
	v4 =	vadd.f32 $3.141592740e+00, v5  }
0x6a: {  	v7 =	vsel vm14, v8, v7  }
0x6b: {  	v6 =	vmin.f32 v6, $1.999999050e+00;
	v7 =	vmul.f32 $6.366197460e-01, v7;
	v4 =	vmul.f32 $6.366197460e-01, v4  }
0x6c: {  	v5 =	vtrunc.f32 v6  }
0x6d: {  	v8 =	vtrunc.f32 v7;
	v45 =	vtrunc.f32 v4  }
0x6e: {  	v8 =	vcvt.f32.s32 v8;
	v9 =	vcvt.f32.s32 v45  }
0x6f: {  	v3 =	vshll.u32 v3, $0x3;
	v5 =	vcvt.f32.s32 v5  }
0x70: {  	v49 =	vor.u32 v1, v3;
	v47 =	vcvt.s32.f32 v8;
	v48 =	vcvt.s32.f32 v9  }
0x71: {  	v54 =	vor.u32 $0x1, v49;
	v46 =	vcvt.s32.f32 v5;
	vm15 =	vlt.s32 v5, $0x1  }
0x72: {  	vm1 =	vlt.s32 v8, $0x1;
	v3 =	vsub.f32 v7, v47;
	v4 =	vsub.f32 v4, v48  }
0x73: {  	v5 =	vnsel vm15, $0x1, v5;
	v50 =	vsub.f32 v6, v46;
	v6 =	vnsel vm1, $0x1, v8  }
0x74: {  	v7 =	vshll.u32 v9, $0x2;
	v51 =	vsub.f32 $1.000000000e+00, v3;
	v52 =	vsub.f32 $1.000000000e+00, v4  }
0x75: {  	v6 =	vshll.u32 v6, $0x1;
	v55 =	vsub.f32 $1.000000000e+00, v50;
	v8 =	vand.u32 $0xC, v7  }
0x76: {  	v7 =	vadd.s32 $0x4, v7;
	v53 =	vadd.s32 v6, v8;
	v56 =	vmul.f32 v52, v51  }
0x77: {  	v19 =	vor.u32 $0x2, v49;
	v7 =	vand.u32 $0xC, v7;
	v57 =	vadd.s32 v5, v53  }
0x78: {  	v6 =	vadd.s32 v6, v7;
	v10 =	vmul.f32 v4, v51;
	v58 =	vmul.f32 v56, v55  }
0x79: {  	[tilespmem:v49+s16+$0x0] =	vst.idx.msk $0xffff, v57;
	v20 =	vadd.s32 v5, v6  }
0x7a: {  	v60 =	vor.u32 $0x3, v49;
	v11 =	vmul.f32 v52, v3;
	v59 =	vmul.f32 v10, v55;
	[tilespmem:v49+s17+$0x0] =	vst.idx.msk $0xffff, v58  }
0x7b: {  	v4 =	vmul.f32 v4, v3;
	v3 =	vadd.s32 $0x2, v5;
	[tilespmem:v54+s16+$0x0] =	vst.idx.msk $0xffff, v20  }
0x7c: {  	v62 =	vor.u32 $0x4, v49;
	v61 =	vadd.s32 v8, v3;
	v5 =	vmul.f32 v11, v55;
	[tilespmem:v54+s17+$0x0] =	vst.idx.msk $0xffff, v59  }
0x7d: {  	[tilespmem:v19+s16+$0x0] =	vst.idx.msk $0xffff, v61  }
0x7e: {  	v63 =	vor.u32 $0x5, v49;
	v15 =	vmul.f32 v4, v55;
	v3 =	vadd.s32 v7, v3;
	[tilespmem:v19+s17+$0x0] =	vst.idx.msk $0xffff, v5  }
0x7f: {  	[tilespmem:v60+s16+$0x0] =	vst.idx.msk $0xffff, v3  }
0x80: {  	v12 =	vor.u32 $0x1, v53;
	v3 =	vmul.f32 v56, v50;
	[tilespmem:v60+s17+$0x0] =	vst.idx.msk $0xffff, v15  }
0x81: {  	v5 =	vor.u32 $0x6, v49;
	[tilespmem:v62+s16+$0x0] =	vst.idx.msk $0xffff, v12  }
0x82: {  	v6 =	vor.u32 $0x1, v6;
	[tilespmem:v62+s17+$0x0] =	vst.idx.msk $0xffff, v3  }
0x83: {  	v10 =	vmul.f32 v10, v50;
	[tilespmem:v63+s16+$0x0] =	vst.idx.msk $0xffff, v6;
	v6 =	vor.u32 $0x7, v49;
	_ =	sdelay $0x1  }
0x84: {  	v8 =	vor.u32 $0x3, v8;
	v3 =	vor.u32 $0x3, v7;
	v7 =	vmul.f32 v11, v50;
	[tilespmem:v63+s17+$0x0] =	vst.idx.msk $0xffff, v10  }
0x85: {  	s24 =	simm.s32 $0x10;
	v4 =	vmul.f32 v4, v50;
	[tilespmem:v5+s16+$0x0] =	vst.idx.msk $0xffff, v8  }
.LBB2_3:
0x86: {  	p0 =	sne.s32 s24, $0x1F0;
	[tilespmem:v5+s17+$0x0] =	vst.idx.msk $0xffff, v7;
	s22 =	sadd.s32 $0x10, s22;
	s23 =	sadd.s32 $0x10, s23  }
0x87: {  	s25 =	smov.u32 s24;
	s24 =	sadd.s32 $0x10, s24;
	[tilespmem:v6+s16+$0x0] =	vst.idx.msk $0xffff, v3  }
0x88: {  	[tilespmem:v6+s17+$0x0] =	vst.idx.msk $0xffff, v4  }
0x89: {  	v4 =	vmov s25;
	v5 =	vld [tilespmem:s22+$0x0]  }
0x8a: {  	v3 =	vshll.u32 v4, $0x3;
	v4 =	vshrl.u32 v4, $0x5  }
0x8b: {  	v4 =	vor.u32 v2, v4  }
0x8c: {  	v4 =	vmul.u32 $0x3, v4;
	_ =	sdelay $0x1  }
0x8d: {  	v6 =	vadd.s32 $0x1, v4;
	v7 =	vadd.s32 $0x2, v4;
	v5 =	vmul.u32 $0x3, v5;
	_ =	sdelay $0x1  }
0x8e: {  	v8 =	vadd.s32 $0x1, v5;
	v9 =	vadd.s32 $0x2, v5;
	_ =	sdelay $0x1  }
0x8f: {  	v4 =	vld.idx.msk [tilespmem:v4+s15+$0x0], $0xffff  }
0x90: {  	v6 =	vld.idx.msk [tilespmem:v6+s15+$0x0], $0xffff  }
0x91: {  	v5 =	vld.idx.msk [tilespmem:v5+s4+$0x0], $0xffff  }
0x92: {  	v8 =	vld.idx.msk [tilespmem:v8+s4+$0x0], $0xffff;
	_ =	sdelay $0x4  }
0x93: {  	v5 =	vsub.f32 v5, v4  }
0x94: {  	v4 =	vsub.f32 v8, v6  }
0x95: {  	v6 =	vand.u32 $0x7FFFFFFF, v5  }
0x96: {  	v8 =	vand.u32 $0x7FFFFFFF, v4  }
0x97: {  	v10 =	vmin.f32 v6, v8;
	v11 =	vmax.f32 v6, v8;
	vm1 =	vgt.f32 v8, v6  }
0x98: {  	(erf) = vrcp.f32 v11;
	_ =	sdelay $0x2  }
0x99: {  	v6 =	vld [tilespmem:s23+$0x0];
	_ =	sdelay $0x4  }
0x9a: {  	v8 =	vadd.f32 $9.999999930e-09, v6;
	v6 =	vmul.f32 v6, v0  }
0x9b: {  	v12 =	vpop (erf)  }
0x9c: {  	vm0 =	vgt.f32 v11, $0.0e+00;
	v10 =	vmul.f32 v12, v10;
	(erf) = vrcp.f32 v8  }
0x9d: {  	v6 =	vmax.f32 v6, $0.0e+00;
	v11 =	vld.idx.msk [tilespmem:v7+s15+$0x0], $0xffff  }
0x9e: {  	v6 =	vmin.f32 v6, $1.999999050e+00;
	v9 =	vld.idx.msk [tilespmem:v9+s4+$0x0], $0xffff;
	v10 =	vnsel vm0, $0x0, v10  }
0x9f: {  	v7 =	vtrunc.f32 v6;
	v12 =	vmul.f32 v10, v10  }
0xa0: {  	v7 =	vcvt.f32.s32 v7  }
0xa1: {  	v13 =	vmul.f32 $-1.743701170e-03, v12  }
0xa2: {  	v8 =	vcvt.s32.f32 v7;
	vm0 =	vlt.s32 v7, $0x1  }
0xa3: {  	v14 =	vadd.f32 $1.068071930e-02, v13  }
0xa4: {  	v9 =	vsub.f32 v9, v11  }
0xa5: {  	v11 =	vmul.f32 v14, v12;
	v13 =	vpop (erf)  }
0xa6: {  	v9 =	vmul.f32 v13, v9  }
0xa7: {  	v11 =	vadd.f32 $-3.071750890e-02, v11  }
0xa8: {  	v9 =	vmax.f32 v9, $-1.000000000e+00  }
0xa9: {  	v11 =	vmul.f32 v11, v12;
	v9 =	vmin.f32 v9, $1.000000000e+00  }
0xaa: {  	v13 =	vand.u32 $0x7FFFFFFF, v9  }
0xab: {  	v11 =	vadd.f32 $5.746355650e-02, v11;
	v14 =	vsub.f32 $1.000000000e+00, v13;
	v15 =	vmul.f32 $6.993961280e-04, v13;
	_ =	sdelay $0x1  }
0xac: {  	v11 =	vmul.f32 v11, v12;
	v16 =	vshra.s32 v14, $0x1;
	v15 =	vadd.f32 $-4.034589510e-03, v15  }
0xad: {  	v17 =	vmul.f32 $5.000000000e-01, v14;
	v16 =	vsub.s32 $0x5F3759DF, v16  }
0xae: {  	v11 =	vadd.f32 $-8.372063930e-02, v11;
	v15 =	vmul.f32 v15, v13  }
0xaf: {  	v18 =	vmul.f32 v16, v17  }
0xb0: {  	v11 =	vmul.f32 v11, v12;
	v15 =	vadd.f32 $1.112695970e-02, v15  }
0xb1: {  	v18 =	vmul.f32 v16, v18  }
0xb2: {  	v11 =	vadd.f32 $1.094019860e-01, v11;
	v15 =	vmul.f32 v15, v13  }
0xb3: {  	v18 =	vsub.f32 $1.500000000e+00, v18  }
0xb4: {  	v11 =	vmul.f32 v11, v12;
	v15 =	vadd.f32 $-2.081215010e-02, v15  }
0xb5: {  	v16 =	vmul.f32 v16, v18  }
0xb6: {  	v11 =	vadd.f32 $-1.426157360e-01, v11;
	v15 =	vmul.f32 v15, v13  }
0xb7: {  	v18 =	vmul.f32 v16, v17  }
0xb8: {  	v11 =	vmul.f32 v11, v12;
	v15 =	vadd.f32 $3.261138500e-02, v15  }
0xb9: {  	v18 =	vmul.f32 v18, v16  }
0xba: {  	v11 =	vadd.f32 $1.999823000e-01, v11;
	v15 =	vmul.f32 v15, v13  }
0xbb: {  	v18 =	vsub.f32 $1.500000000e+00, v18  }
0xbc: {  	v11 =	vmul.f32 v11, v12;
	v15 =	vadd.f32 $-5.060400440e-02, v15  }
0xbd: {  	v16 =	vmul.f32 v18, v16  }
0xbe: {  	v11 =	vadd.f32 $-3.333328370e-01, v11;
	v15 =	vmul.f32 v15, v13  }
0xbf: {  	v17 =	vmul.f32 v16, v17  }
0xc0: {  	v11 =	vmul.f32 v11, v12;
	v12 =	vadd.f32 $8.903147280e-02, v15  }
0xc1: {  	v15 =	vmul.f32 v17, v16  }
0xc2: {  	v11 =	vadd.f32 $1.000000000e+00, v11;
	v12 =	vmul.f32 v12, v13  }
0xc3: {  	v15 =	vsub.f32 $1.500000000e+00, v15  }
0xc4: {  	v10 =	vmul.f32 v11, v10;
	v11 =	vadd.f32 $-2.146012340e-01, v12  }
0xc5: {  	v12 =	vmul.f32 v15, v16  }
0xc6: {  	v15 =	vsub.f32 $1.570796370e+00, v10;
	v11 =	vmul.f32 v11, v13  }
0xc7: {  	v12 =	vmul.f32 v12, v14  }
0xc8: {  	v10 =	vsel vm1, v15, v10;
	v11 =	vadd.f32 $1.570796370e+00, v11  }
0xc9: {  	vm1 =	vlt.f32 v5, $0.0e+00;
	v5 =	vsub.f32 $3.141592740e+00, v10  }
0xca: {  	v11 =	vmul.f32 v12, v11  }
0xcb: {  	v5 =	vsel vm1, v5, v10  }
0xcc: {  	vm1 =	vlt.f32 v4, $0.0e+00;
	v4 =	vsub.f32 $0.0e+00, v5;
	v10 =	vsub.f32 $3.141592740e+00, v11  }
0xcd: {  	vm2 =	vlt.f32 v9, $0.0e+00  }
0xce: {  	v4 =	vsel vm1, v4, v5;
	v5 =	vsel vm2, v10, v11  }
0xcf: {  	v4 =	vadd.f32 $3.141592740e+00, v4;
	v5 =	vmul.f32 $6.366197460e-01, v5;
	_ =	sdelay $0x1  }
0xd0: {  	v4 =	vmul.f32 $6.366197460e-01, v4;
	v9 =	vtrunc.f32 v5  }
0xd1: {  	v9 =	vcvt.f32.s32 v9  }
0xd2: {  	v11 =	vor.u32 v1, v3;
	v10 =	vtrunc.f32 v4  }
0xd3: {  	v3 =	vcvt.f32.s32 v10;
	v10 =	vcvt.s32.f32 v9;
	vm1 =	vlt.s32 v9, $0x1  }
0xd4: {  	v7 =	vnsel vm0, $0x1, v7;
	v8 =	vsub.f32 v6, v8;
	v6 =	vnsel vm1, $0x1, v9  }
0xd5: {  	v9 =	vcvt.s32.f32 v3;
	v5 =	vsub.f32 v5, v10;
	v3 =	vshll.u32 v3, $0x2  }
0xd6: {  	v6 =	vshll.u32 v6, $0x1;
	v10 =	vand.u32 $0xC, v3;
	v3 =	vadd.s32 $0x4, v3  }
0xd7: {  	v4 =	vsub.f32 v4, v9;
	v9 =	vand.u32 $0xC, v3;
	v12 =	vadd.s32 v6, v10  }
0xd8: {  	v13 =	vsub.f32 $1.000000000e+00, v5;
	v6 =	vadd.s32 v6, v9;
	v14 =	vadd.s32 v7, v12  }
0xd9: {  	v3 =	vor.u32 $0x3, v9;
	v15 =	vsub.f32 $1.000000000e+00, v4;
	v16 =	vmul.f32 v4, v5  }
0xda: {  	v18 =	vor.u32 $0x1, v11;
	v17 =	vmul.f32 v4, v13  }
0xdb: {  	v19 =	vsub.f32 $1.000000000e+00, v8;
	v13 =	vmul.f32 v15, v13;
	v15 =	vmul.f32 v15, v5  }
0xdc: {  	v4 =	vmul.f32 v16, v8  }
0xdd: {  	v20 =	vor.u32 $0x2, v11;
	v5 =	vmul.f32 v13, v19  }
0xde: {  	[tilespmem:v11+s16+$0x0] =	vst.idx.msk $0xffff, v14  }
0xdf: {  	v21 =	vadd.s32 v7, v6;
	v14 =	vmul.f32 v17, v19;
	[tilespmem:v11+s17+$0x0] =	vst.idx.msk $0xffff, v5;
	v5 =	vor.u32 $0x3, v11  }
0xe0: {  	v7 =	vadd.s32 $0x2, v7;
	[tilespmem:v18+s16+$0x0] =	vst.idx.msk $0xffff, v21  }
0xe1: {  	v22 =	vadd.s32 v10, v7;
	v21 =	vmul.f32 v15, v19;
	[tilespmem:v18+s17+$0x0] =	vst.idx.msk $0xffff, v14;
	v14 =	vor.u32 $0x4, v11  }
0xe2: {  	[tilespmem:v20+s16+$0x0] =	vst.idx.msk $0xffff, v22  }
0xe3: {  	v7 =	vadd.s32 v9, v7;
	v9 =	vor.u32 $0x5, v11;
	v16 =	vmul.f32 v16, v19;
	[tilespmem:v20+s17+$0x0] =	vst.idx.msk $0xffff, v21  }
0xe4: {  	[tilespmem:v5+s16+$0x0] =	vst.idx.msk $0xffff, v7  }
0xe5: {  	v12 =	vor.u32 $0x1, v12;
	v7 =	vmul.f32 v13, v8;
	[tilespmem:v5+s17+$0x0] =	vst.idx.msk $0xffff, v16;
	v5 =	vor.u32 $0x6, v11  }
.Ltmp0:
0xe6: {  	[tilespmem:v14+s16+$0x0] =	vst.idx.msk $0xffff, v12;
	(pc) =	sbr.rel @p0 .LBB2_3-.Ltmp0, $4  }
0xe7: {  	v13 =	vor.u32 $0x1, v6;
	v6 =	vor.u32 $0x7, v11;
	v12 =	vmul.f32 v17, v8;
	[tilespmem:v14+s17+$0x0] =	vst.idx.msk $0xffff, v7  }
0xe8: {  	[tilespmem:v9+s16+$0x0] =	vst.idx.msk $0xffff, v13  }
0xe9: {  	v7 =	vmul.f32 v15, v8;
	v8 =	vor.u32 $0x3, v10;
	[tilespmem:v9+s17+$0x0] =	vst.idx.msk $0xffff, v12  }
0xea: {  	[tilespmem:v5+s16+$0x0] =	vst.idx.msk $0xffff, v8  }
0xeb: {  	_ =	sdelay $0x1  }
0xec: {  	s20 =	sshll.u32 s20, $0xF  }
0xed: {  	s20 =	sadd.s32 s10, s20  }
0xee: {  	[tilespmem:v5+s17+$0x0] =	vst.idx.msk $0xffff, v7;
	s20 =	sor.u32 s21, s20  }
0xef: {  	[tilespmem:v6+s16+$0x0] =	vst.idx.msk $0xffff, v3;
	s20 =	sshrl.u32 s20, $0x3  }
0xf0: {  	[tilespmem:v6+s17+$0x0] =	vst.idx.msk $0xffff, v4;
	s31 =	sadd.s32 s2, s20  }
0xf1: {  	[hbm4b:s31+s12] =	stream.strided.scatter [tilespmem:s16], [sflag:$0x1], $0x1000, s13, s12, $0x38;
	[tilespmem:$0x1BC00] =	vst v63  }
0xf2: {  	s19 =	sadd.s32 $0x1, s19;
	_ =	swait.ge [sflag:s14], $0x1000  }
0xf3: {  	p0 =	sne.s32 s19, $0x80;
	[sflag:s14] =	ssyncset.done $0x0  }
.Ltmp1:
0xf4: {  	s20 =	sadd.s32 s3, s20;
	[sflag:s14] =	ssyncadd.s32 $0xFFFFF000;
	(pc) =	sbr.rel @p0 .LBB2_2-.Ltmp1, $4  }
0xf5: {  	[hbm4b:s20+s12] =	stream.strided.scatter [tilespmem:s17], [sflag:$0x1], $0x1000, s13, s12, $0x38;
	[tilespmem:$0x1BC00] =	vst v63  }
0xf6: {  	_ =	swait.ge [sflag:s14], $0x1000  }
0xf7: {  	[sflag:s14] =	ssyncset.done $0x0  }
0xf8: {  	[sflag:s14] =	ssyncadd.s32 $0xFFFFF000  }
0xf9: {  	s18 =	sadd.s32 $0x1, s18  }
0xfa: {  	p0 =	sne.s32 s18, s11  }
.Ltmp2:
0xfb: {  	_ = 	snop;
	(pc) =	sbr.rel @p0 .LBB2_1-.Ltmp2, $1  }
0xfc: {  	_ =	sdelay $0x3  }
0xfd: {  	_ =	sfence.sel $0x180000  }
0xfe: {  	[bflag:$0x0] =	sbarrier.arrive $0xFFFF  }
0xff: {  	p0 =	sne.s32 s1, $0x0;
	_ =	strace $0x90000047  }
0x100: {  	s0 =	sadd.s32 @!p0 $0x100000, s0;
	[bflag:$0x2] =	sbarrier.arrive $0xFFFF  }
0x101: {  	[sflag:s0] =	ssyncadd.tile.s32 @!p0 $0x1;
	_ =	shalt  }
.Lfunc_end2:
_tile_overlayer_lowered:
.L_overlay_start_2:
0x102: {  	(tag) =	ssettag $0x2  }
0x103: {  	s0 =	rddreg [dreg:$0x0];
	s2 =	stileid.u32  }
0x104: {  	s1 =	rddreg [dreg:$0x1];
	p0 =	sne.s32 s2, $0x0  }
0x105: {  	s3 =	rddreg [dreg:$0x2];
	[bflag:$0x3] =	sbarrier.arrive $0xFFFF;
	s2 =	simm.s32 @!p0 $0x1C01  }
0x106: {  	[timem:s3], [sflag:s2] =	dma.local @!p0 [hbm:s0], s1  }
0x107: {  	s0 =	simm.s32 @!p0 $0x1  }
0x108: {  	_ =	swait.ge @!p0 [sflag:s0], s1  }
0x109: {  	s1 =	ssub.s32 @!p0 $0x0, s1;
	[sflag:s0] =	ssyncset.done @!p0 $0x0  }
0x10a: {  	[sflag:s0] =	ssyncadd.s32 @!p0 s1  }
0x10b: {  	[bflag:$0x3] =	sbarrier.arrive $0xFFFF  }
0x10c: {  	_ =	shalt  }

// kernel: sparse-core-data-format-call.1.cloned.1.call-start
scs
called_computation.1_lowered:
.L_overlay_start_0:
0x0: {  	s2 =	sld [smem:$0x3FD9]  }
0x1: {  	s3 =	sld [smem:$0x3FFE];
	_ =	sdelay $0x1  }
0x2: {  	s1 =	srdreg.scid  }
0x3: {  	s0 =	sand.u32 $0x1, s1  }
0x4: {  	s15 =	sshll.u32 s0, $0xA;
	s2 =	sadd.s32 s3, s2  }
0x5: {  	s2 =	sadd.s32 s2, s15  }
0x6: {  	[smem:$0x3FC4] =	sst s2  }
0x7: {  	_ = 	snop  }
0x8: {  	s2 =	sld [smem:$0x3FD0];
	_ =	sdelay $0x2  }
0x9: {  	s16 =	simm.s32 $0xB;
	s4 =	simm.s32 $0x10  }
0xa: {  	[smem:s4], [sflag:s16] =	dma.local [hbm:s2], $0x1  }
0xb: {  	_ =	swait.eq [sflag:s16], $0x1  }
0xc: {  	[sflag:s16] =	ssyncset.done $0x0  }
0xd: {  	[sflag:s16] =	ssyncadd.s32 $0xFFFFFFFF  }
0xe: {  	s17 =	sld [smem:$0x10];
	(tm) =	ssettm $0x1  }
0xf: {  	s18 =	sld [smem:$0x3FFB];
	_ =	sdelay $0x3  }
0x10: {  	_ =	strace s18  }
0x11: {  	s3 =	sld [smem:$0x3FFC];
	_ =	sdelay $0x3  }
0x12: {  	_ =	strace s3  }
0x13: {  	s3 =	sld [smem:$0x3FFD];
	_ =	sdelay $0x3  }
0x14: {  	_ =	strace s3  }
0x15: {  	_ =	strace $0x8FFFFFFF  }
0x16: {  	s19 =	sld [smem:$0x3FDB];
	_ =	sdelay $0x1  }
0x17: {  	s20 =	simm.s32 $_scs_section_size  }
0x18: {  	s5 =	simm.s32 $_size__tile_overlayer_lowered;
	s6 =	simm.s32 $_tile_overlayer_lowered  }
0x19: {  	s23 =	simm.s32 $0x1BFF;
	s22 =	sshll.u32 s6, $0x1;
	s3 =	sadd.s32 s20, s19  }
0x1a: {  	s7 =	simm.s32 $0x0;
	s21 =	sshll.u32 s5, $0x1;
	s5 =	sadd.s32 s22, s3  }
0x1b: {  	[timem:s7], [sflag:s23] =	dma.local [hbm:s5], s21  }
0x1c: {  	_ =	swait.ge [sflag:s23], s21  }
0x1d: {  	s4 =	ssub.s32 $0x0, s21;
	[sflag:s23] =	ssyncset.done $0x0  }
0x1e: {  	[sflag:s23] =	ssyncadd.s32 s4;
	_ =	sdelay $0x1  }
0x1f: {  	s24 =	simm.s32 $0x1B8B  }
0x20: {  	_ =	swait.ge [sflag:s24], $0x1  }
0x21: {  	[sflag:s24] =	ssyncset.done $0x0  }
0x22: {  	s26 =	simm.s32 $0x1B8E;
	s25 =	sld [smem:$0x3FFE];
	[sflag:s24] =	ssyncadd.s32 $0xFFFFFFFF  }
0x23: {  	s27 =	simm.s32 $execute0_lowered;
	[smem:$0x3FD2] =	sst s26  }
0x24: {  	s5 =	sshll.u32 s27, $0x1;
	_ =	strace $0x80000049;
	[dreg:$0x1] =	wrdreg $0xFFFFFFFF  }
0x25: {  	s28 =	simm.s32 $_size_execute0_lowered;
	s3 =	sadd.s32 s3, s5;
	[dreg:$0x0] =	wrdreg $0x0  }
0x26: {  	s5 =	sshll.u32 s28, $0x1;
	[dreg:$0x2] =	wrdreg s3  }
0x27: {  	[dreg:$0x3] =	wrdreg s5  }
0x28: {  	[dreg:$0x4] =	wrdreg $0xC0  }
0x29: {  	_ =	task [dreg:s7], $0x5FFFF  }
0x2a: {  	[dreg:$0x1] =	wrdreg $0xFFFFFFFF  }
0x2b: {  	[dreg:$0x0] =	wrdreg $0x60  }
0x2c: {  	[dreg:$0x2] =	wrdreg s25  }
0x2d: {  	[dreg:$0x3] =	wrdreg s17  }
0x2e: {  	[dreg:$0x4] =	wrdreg $0xA  }
0x2f: {  	_ =	task.clear_ibuf [dreg:s7], $0x5FFFF;
	_ =	strace $0x90000049  }
0x30: {  	s29 =	simm.s32 $0xA;
	_ =	strace $0x8000004B  }
0x31: {  	_ =	swait.ge [sflag:s29], $0x1  }
0x32: {  	[sflag:s29] =	ssyncadd.s32 $0xFFFFFFFF  }
0x33: {  	_ =	strace $0x9000004B  }
0x34: {  	_ =	sfence  }
0x35: {  	s30 =	sld [smem:$0x0];
	_ =	sdelay $0x2  }
0x36: {  	s31 =	sshll.u32 s1, $0xD;
	s1 =	sshrl.u32 s1, $0x2  }
0x37: {  	s3 =	sand.u32 $0x4000, s31;
	s1 =	sadd.s32 s1, s30  }
0x38: {  	s0 =	sor.u32 s3, s0;
	s1 =	sshll.u32 s1, $0x11  }
0x39: {  	s0 =	sor.u32 s1, s0  }
0x3a: {  	s0 =	sadd.s32 $0x8F2B, s0  }
0x3b: {  	[sflag:s0] =	ssyncadd.remote.s32 $0x1  }
0x3c: {  	_ =	sfence.sel $0xFFFF  }
0x3d: {  	[dreg:$0x0] =	wrdreg $0xFFFFFFFF;
	(pc) =	sbr.abs _section_cstart, $3  }
0x3e: {  	[dreg:$0x1] =	wrdreg $0xFFFFFFFF  }
0x3f: {  	_ =	task.clear_ibuf [dreg:s7], $0x2FFFF;
	_ =	strace $0x9FFFFFFF  }
0x40: {  	(tm) =	ssettm $0x7FFFFFFF  }
0x41: {  	_ =	shalt  }
tec
execute0_lowered:
.L_overlay_start_1:
0x0: {  	(tag) =	ssettag $0x1  }
0x1: {  	s13 =	rddreg [dreg:$0x0];
	s0 =	srdreg.scid  }
0x2: {  	s2 =	rddreg [dreg:$0x1];
	s1 =	stileid.u32;
	s5 =	simm.s32 $0x1  }
0x3: {  	s6 =	simm.s32 $0x2;
	s10 =	simm.s32 $0x1;
	s20 =	simm.s32 $0x0  }
0x4: {  	s15 =	simm.s32 $0x200000;
	s21 =	simm.s32 $0x0;
	s3 =	sshll.u32 s0, $0x4  }
0x5: {  	s22 =	simm.s32 $0x0;
	s16 =	simm.s32 $0x0;
	s3 =	sand.u32 $0x10, s3  }
0x6: {  	s18 =	simm.s32 $0x0;
	s0 =	rddreg [dreg:$0x2];
	s4 =	sor.u32 s1, s3  }
0x7: {  	_ =	strace $0x8000004A;
	s8 =	sadd.s32 $0xC02200, s13;
	s4 =	sshll.u32 s4, $0x7  }
0x8: {  	s19 =	simm.s32 $0x0;
	s12 =	sadd.s32 $0x1802200, s13;
	s7 =	ssub.s32 $0x2000, s4  }
0x9: {  	[sflag:s5] =	ssyncpa.u1 $0x0;
	s3 =	sadd.s32 $0x2200, s13;
	s31 =	sand.u32 $0xF80, s7  }
.Ltmp0:
0xa: {  	[sflag:s6] =	ssyncpa.u1 $0x0;
	p0 =	sne.s32 s31, $0x0;
	(pc) =	sbr.rel .LBB1_1-.Ltmp0, $4  }
0xb: {  	s6 =	sadd.s32 $0x402200, s13;
	s9 =	sshrl.u32 s7, $0xC;
	s10 =	simm.s32 @!p0 $0x0  }
0xc: {  	s17 =	smov.u32 s4;
	s7 =	sadd.s32 $0x802200, s13;
	s11 =	sadd.s32 s10, s9  }
0xd: {  	p0 =	por $0x0, $0x0;
	s9 =	sadd.s32 $0x1002200, s13;
	s11 =	sshll.u32 s11, $0x5  }
0xe: {  	s10 =	sadd.s32 $0x1402200, s13;
	s13 =	sadd.s32 $0x1C02200, s13;
	s14 =	sor.u32 $0x1, s11  }
.LBB1_7:
0xf: {  	s23 =	sadd.s32 $0x1, s16  }
0x10: {  	s20 =	sadd.s32 $0x1000, s17;
	s24 =	smov.u32 s17;
	p2 =	sgt.s32 s23, $0x1F  }
0x11: {  	s24 =	smov.u32 @p2 s20  }
0x12: {  	s26 =	smov.u32 s18;
	s20 =	sadd.s32 $0x8, s18;
	p3 =	sgt.s32 s24, $0x1FFF  }
0x13: {  	s26 =	smov.u32 @p3 s20  }
0x14: {  	s23 =	simm.s32 @p2 $0x0;
	p2 =	sgt.s32 s26, $0x7  }
0x15: {  	p1 =	slt.u32 s19, $0x2;
	s26 =	simm.s32 @p2 $0x0;
	p2 =	sne.s32 s19, s14  }
.Ltmp1:
0x16: {  	s25 =	simm.s32 @!p1 $0x2;
	(pc) =	sbr.rel @!p2 .LBB1_8-.Ltmp1, $4  }
0x17: {  	s21 =	smov.u32 s17;
	s22 =	smov.u32 s18;
	_ =	swait.ge @!p1 [sflag:s25], $0x2000  }
0x18: {  	p0 =	por !p0, !p0;
	[sflag:s25] =	ssyncset.done @!p1 $0x0;
	s24 =	smov.u32 @p3 s4  }
0x19: {  	s20 =	smov.u32 s16;
	[sflag:s25] =	ssyncadd.s32 @!p1 $0xFFFFE000;
	s16 =	smov.u32 s23  }
0x1a: {  	s17 =	smov.u32 s24;
	s19 =	sadd.s32 $0x1, s19;
	s18 =	smov.u32 s26  }
.LBB1_1:
0x1b: {  	p1 =	sge.u32 s19, s11  }
0x1c: {  	s23 =	sxor.u32 @!p1 $0xFFFFFFFF, s19;
	s24 =	sshll.u32 @!p1 s18, $0x16;
	s25 =	sshll.u32 @!p1 s17, $0x9  }
0x1d: {  	s27 =	sshll.u32 @!p1 s16, $0x4;
	s28 =	simm.s32 @!p1 $0x8;
	s26 =	sadd.s32 @!p1 s24, s25  }
0x1e: {  	s23 =	sshll.u32 @!p1 s23, $0xD;
	s27 =	sand.u32 @!p1 $0x1F0, s27;
	s26 =	sadd.s32 @!p1 s3, s26  }
0x1f: {  	s29 =	simm.s32 @!p1 $0x1000;
	s23 =	sand.u32 @!p1 $0x2000, s23;
	s26 =	sadd.s32 @!p1 s27, s26  }
0x20: {  	[tilespmem:s23], [sflag:$0x1] =	stream.strided.gather @!p1 [hbm4b:s26+s28], $0x400, s29, s28, $0x38;
	[tilespmem:$0x8080] =	vst v63  }
0x21: {  	s26 =	sadd.s32 @!p1 s24, s6  }
0x22: {  	s26 =	sadd.s32 @!p1 s25, s26  }
0x23: {  	s30 =	sor.u32 @!p1 $0x400, s23;
	s26 =	sadd.s32 @!p1 s27, s26  }
0x24: {  	[tilespmem:s30], [sflag:$0x1] =	stream.strided.gather @!p1 [hbm4b:s26+s28], $0x400, s29, s28, $0x38;
	[tilespmem:$0x8080] =	vst v63  }
0x25: {  	s26 =	sadd.s32 @!p1 s24, s7  }
0x26: {  	s26 =	sadd.s32 @!p1 s25, s26  }
0x27: {  	s30 =	sor.u32 @!p1 $0x800, s23;
	s26 =	sadd.s32 @!p1 s27, s26  }
0x28: {  	[tilespmem:s30], [sflag:$0x1] =	stream.strided.gather @!p1 [hbm4b:s26+s28], $0x400, s29, s28, $0x38;
	[tilespmem:$0x8080] =	vst v63  }
0x29: {  	s26 =	sadd.s32 @!p1 s24, s8  }
0x2a: {  	s26 =	sadd.s32 @!p1 s25, s26  }
0x2b: {  	s30 =	sor.u32 @!p1 $0xC00, s23;
	s26 =	sadd.s32 @!p1 s27, s26  }
0x2c: {  	[tilespmem:s30], [sflag:$0x1] =	stream.strided.gather @!p1 [hbm4b:s26+s28], $0x400, s29, s28, $0x38;
	[tilespmem:$0x8080] =	vst v63  }
0x2d: {  	s26 =	sadd.s32 @!p1 s24, s9  }
0x2e: {  	s26 =	sadd.s32 @!p1 s25, s26  }
0x2f: {  	s30 =	sor.u32 @!p1 $0x1000, s23;
	s26 =	sadd.s32 @!p1 s27, s26  }
0x30: {  	[tilespmem:s30], [sflag:$0x1] =	stream.strided.gather @!p1 [hbm4b:s26+s28], $0x400, s29, s28, $0x38;
	[tilespmem:$0x8080] =	vst v63  }
0x31: {  	s26 =	sadd.s32 @!p1 s24, s10  }
0x32: {  	s26 =	sadd.s32 @!p1 s25, s26  }
0x33: {  	s30 =	sor.u32 @!p1 $0x1400, s23;
	s26 =	sadd.s32 @!p1 s27, s26  }
0x34: {  	[tilespmem:s30], [sflag:$0x1] =	stream.strided.gather @!p1 [hbm4b:s26+s28], $0x400, s29, s28, $0x38;
	[tilespmem:$0x8080] =	vst v63  }
0x35: {  	s26 =	sadd.s32 @!p1 s24, s12  }
0x36: {  	s24 =	sadd.s32 @!p1 s24, s13;
	s26 =	sadd.s32 @!p1 s25, s26  }
0x37: {  	s30 =	sor.u32 @!p1 $0x1800, s23;
	s24 =	sadd.s32 @!p1 s25, s24;
	s26 =	sadd.s32 @!p1 s27, s26  }
0x38: {  	[tilespmem:s30], [sflag:$0x1] =	stream.strided.gather @!p1 [hbm4b:s26+s28], $0x400, s29, s28, $0x38;
	[tilespmem:$0x8080] =	vst v63  }
0x39: {  	s31 =	sadd.s32 $0xFFFFFFFF, s19;
	s23 =	sor.u32 @!p1 $0x1C00, s23;
	s24 =	sadd.s32 @!p1 s27, s24  }
0x3a: {  	[tilespmem:s23], [sflag:$0x1] =	stream.strided.gather @!p1 [hbm4b:s24+s28], $0x400, s29, s28, $0x38;
	[tilespmem:$0x8080] =	vst v63  }
0x3b: {  	p1 =	sge.u32 s31, s11  }
.Ltmp2:
0x3c: {  	_ = 	snop;
	(pc) =	sbr.rel @p1 .LBB1_7-.Ltmp2, $1  }
0x3d: {  	_ =	sdelay $0x3  }
0x3e: {  	s23 =	simm.s32 $0x1;
	s24 =	sand.u32 $0x1, s19  }
0x3f: {  	s23 =	simm.s32 @!p0 $0x0;
	s26 =	smul.u32 $0x8100, s24  }
0x40: {  	_ =	swait.ge [sflag:s5], $0x2000;
	s25 =	smul.u32 $0x8100, s23  }
0x41: {  	[sflag:s5] =	ssyncset.done $0x0;
	s24 =	sshll.u32 s23, $0xD  }
0x42: {  	[sflag:s5] =	ssyncadd.s32 $0xFFFFE000;
	s31 =	sshrl.u32 s26, $0x2;
	s30 =	sshrl.u32 s25, $0x2  }
0x43: {  	s26 =	simm.s32 $0x0;
	s23 =	sor.u32 $0x4000, s31;
	s25 =	sor.u32 $0x4000, s30  }
.LBB1_3:
0x44: {  	v0 =	vmov s24;
	_ =	sdelay $0x3  }
0x45: {  	s27 =	simm.s32 $0x0  }
0x46: {  	v1 =	vld.idx.msk [tilespmem:v0+s27+$0x0 ss:$0x1], $0xff;
	_ =	sdelay $0x2  }
0x47: {  	s28 =	simm.s32 $0x20;
	s27 =	smov.u32 s25  }
.LBB1_4:
0x48: {  	s29 =	sshra.s32 s28, $0x2;
	p1 =	sne.s32 s28, $0xFE0;
	s28 =	sadd.s32 $0x20, s28  }
.Ltmp3:
0x49: {  	[tilespmem:s27+$0x0 ss:$0x81] =	vst.msk $0xff, v1;
	v1 =	vld.idx.msk [tilespmem:v0+s29+$0x0 ss:$0x1], $0xff;
	(pc) =	sbr.rel @p1 .LBB1_4-.Ltmp3, $2  }
0x4a: {  	_ =	sdelay $0x2  }
0x4b: {  	s27 =	sadd.s32 $0x1, s27  }
0x4c: {  	s26 =	sadd.s32 $0x1, s26  }
0x4d: {  	p1 =	sne.s32 s26, $0x8  }
.Ltmp4:
0x4e: {  	_ = 	snop;
	(pc) =	sbr.rel @p1 .LBB1_3-.Ltmp4, $2  }
0x4f: {  	_ =	sdelay $0x2  }
0x50: {  	[tilespmem:s27+$0x0 ss:$0x81] =	vst.msk $0xff, v1;
	s24 =	sadd.s32 $0x400, s24;
	s25 =	sadd.s32 $0x408, s25  }
0x51: {  	s24 =	sshll.u32 s21, $0x3;
	s25 =	sand.u32 $0x78, s21  }
0x52: {  	s22 =	sshll.u32 s22, $0x12;
	s30 =	sand.u32 $0x1C00, s21;
	s20 =	sshll.u32 s20, $0xD  }
.Ltmp5:
0x53: {  	s24 =	sand.u32 $0x1C00, s24;
	s22 =	sadd.s32 s2, s22;
	(pc) =	sbr.rel .LBB1_7-.Ltmp5, $4  }
0x54: {  	s31 =	sand.u32 $0x7, s21;
	s24 =	sor.u32 s25, s24;
	s22 =	sadd.s32 s30, s22  }
0x55: {  	s21 =	sshll.u32 s31, $0x12;
	s24 =	sshrl.u32 s24, $0x3;
	s20 =	sadd.s32 s20, s22  }
0x56: {  	s21 =	sor.u32 $0x400, s21;
	s20 =	sadd.s32 s24, s20  }
0x57: {  	[hbm4b:s20+s21] =	stream.strided.scatter [tilespmem:s23], [sflag:$0x2], $0x2000, s15, s21, $0x20;
	[tilespmem:$0x8080] =	vst v63  }
.LBB1_8:
0x58: {  	_ =	sfence.sel $0x180000  }
0x59: {  	s2 =	simm.s32 $0x1;
	[bflag:$0x0] =	sbarrier.arrive $0xFFFF  }
0x5a: {  	s31 =	simm.s32 $0x2;
	[sflag:s2] =	ssyncpa.u1 $0x1  }
0x5b: {  	[sflag:s31] =	ssyncpa.u1 $0x1  }
0x5c: {  	p0 =	sne.s32 s1, $0x0;
	_ =	strace $0x9000004A  }
0x5d: {  	s0 =	sadd.s32 @!p0 $0x100000, s0;
	[bflag:$0x2] =	sbarrier.arrive $0xFFFF  }
0x5e: {  	[sflag:s0] =	ssyncadd.tile.s32 @!p0 $0x1;
	_ =	shalt  }
.Lfunc_end1:
_tile_overlayer_lowered:
.L_overlay_start_2:
0x5f: {  	(tag) =	ssettag $0x2  }
0x60: {  	s0 =	rddreg [dreg:$0x0];
	s2 =	stileid.u32  }
0x61: {  	s1 =	rddreg [dreg:$0x1];
	p0 =	sne.s32 s2, $0x0  }
0x62: {  	s3 =	rddreg [dreg:$0x2];
	[bflag:$0x3] =	sbarrier.arrive $0xFFFF;
	s2 =	simm.s32 @!p0 $0x1C01  }
0x63: {  	[timem:s3], [sflag:s2] =	dma.local @!p0 [hbm:s0], s1  }
0x64: {  	s0 =	simm.s32 @!p0 $0x1  }
0x65: {  	_ =	swait.ge @!p0 [sflag:s0], s1  }
0x66: {  	s1 =	ssub.s32 @!p0 $0x0, s1;
	[sflag:s0] =	ssyncset.done @!p0 $0x0  }
0x67: {  	[sflag:s0] =	ssyncadd.s32 @!p0 s1  }
0x68: {  	[bflag:$0x3] =	sbarrier.arrive $0xFFFF  }
0x69: {  	_ =	shalt  }

// kernel: sparse-core-data-format-call.cloned.1.call-start
scs
called_computation_lowered:
.L_overlay_start_0:
0x0: {  	s2 =	sld [smem:$0x3FD9]  }
0x1: {  	s3 =	sld [smem:$0x3FFE];
	_ =	sdelay $0x1  }
0x2: {  	s1 =	srdreg.scid  }
0x3: {  	s0 =	sand.u32 $0x1, s1  }
0x4: {  	s16 =	sshll.u32 s0, $0xA;
	s2 =	sadd.s32 s3, s2  }
0x5: {  	s2 =	sadd.s32 s2, s16  }
0x6: {  	[smem:$0x3FC4] =	sst s2  }
0x7: {  	_ = 	snop  }
0x8: {  	s2 =	sld [smem:$0x3FD0];
	_ =	sdelay $0x2  }
0x9: {  	s17 =	simm.s32 $0xB;
	s4 =	simm.s32 $0x10  }
0xa: {  	[smem:s4], [sflag:s17] =	dma.local [hbm:s2], $0x1  }
0xb: {  	_ =	swait.eq [sflag:s17], $0x1  }
0xc: {  	[sflag:s17] =	ssyncset.done $0x0  }
0xd: {  	[sflag:s17] =	ssyncadd.s32 $0xFFFFFFFF  }
0xe: {  	s18 =	sld [smem:$0x11];
	(tm) =	ssettm $0x1  }
0xf: {  	s19 =	sld [smem:$0x3FFB];
	_ =	sdelay $0x3  }
0x10: {  	_ =	strace s19  }
0x11: {  	s2 =	sld [smem:$0x3FFC];
	_ =	sdelay $0x3  }
0x12: {  	_ =	strace s2  }
0x13: {  	s2 =	sld [smem:$0x3FFD];
	_ =	sdelay $0x3  }
0x14: {  	_ =	strace s2  }
0x15: {  	_ =	strace $0x8FFFFFFF  }
0x16: {  	s20 =	sld [smem:$0x3FDB];
	_ =	sdelay $0x1  }
0x17: {  	s21 =	simm.s32 $_scs_section_size  }
0x18: {  	s5 =	simm.s32 $_size__tile_overlayer_lowered;
	s6 =	simm.s32 $_tile_overlayer_lowered  }
0x19: {  	s7 =	simm.s32 $0x1BFF;
	s22 =	sshll.u32 s6, $0x1;
	s4 =	sadd.s32 s21, s20  }
0x1a: {  	s23 =	simm.s32 $0x0;
	s5 =	sshll.u32 s5, $0x1;
	s6 =	sadd.s32 s22, s4  }
0x1b: {  	[timem:s23], [sflag:s7] =	dma.local [hbm:s6], s5  }
0x1c: {  	_ =	swait.ge [sflag:s7], s5  }
0x1d: {  	s5 =	ssub.s32 $0x0, s5;
	[sflag:s7] =	ssyncset.done $0x0  }
0x1e: {  	[sflag:s7] =	ssyncadd.s32 s5;
	_ =	sdelay $0x1  }
0x1f: {  	s24 =	simm.s32 $0x1B8B  }
0x20: {  	_ =	swait.ge [sflag:s24], $0x1  }
0x21: {  	[sflag:s24] =	ssyncset.done $0x0  }
0x22: {  	[sflag:s24] =	ssyncadd.s32 $0xFFFFFFFF  }
0x23: {  	s5 =	sld [smem:$0x0]  }
0x24: {  	s6 =	sand.u32 $0xFFFFFFFE, s1  }
0x25: {  	p0 =	sne.s32 s1, s6  }
0x26: {  	s6 =	sshll.u32 @p0 s6, $0xE  }
0x27: {  	s6 =	sadd.s32 @p0 $0x11B8D, s6;
	s7 =	sshll.u32 @p0 s5, $0x11  }
0x28: {  	s6 =	sor.u32 @p0 s7, s6  }
0x29: {  	[sflag:s6] =	ssyncadd.remote.s32 @p0 $0x1;
	_ =	sdelay $0x1  }
0x2a: {  	s6 =	simm.s32 @p0 $0x1B8D  }
0x2b: {  	_ =	swait.eq @p0 [sflag:s6], $0x1  }
0x2c: {  	[sflag:s6] =	ssyncadd.s32 @p0 $0xFFFFFFFF  }
0x2d: {  	s7 =	sshll.u32 @!p0 s1, $0xE  }
0x2e: {  	s7 =	sor.u32 @!p0 $0x4000, s7;
	s6 =	simm.s32 @!p0 $0x1B8D  }
0x2f: {  	s5 =	sshll.u32 @!p0 s5, $0x11;
	s7 =	sadd.s32 @!p0 $0x11B8D, s7;
	_ =	swait.eq @!p0 [sflag:s6], $0x1  }
0x30: {  	s5 =	sor.u32 @!p0 s5, s7;
	[sflag:s6] =	ssyncadd.s32 @!p0 $0xFFFFFFFF  }
0x31: {  	s26 =	simm.s32 $0x1B8E;
	s25 =	sld [smem:$0x3FFE];
	[sflag:s5] =	ssyncadd.remote.s32 @!p0 $0x1  }
0x32: {  	s27 =	simm.s32 $execute0_lowered;
	[smem:$0x3FD2] =	sst s26  }
0x33: {  	s6 =	sshll.u32 s27, $0x1;
	_ =	strace $0x8000004C;
	[dreg:$0x1] =	wrdreg $0xFFFFFFFF  }
0x34: {  	s28 =	simm.s32 $_size_execute0_lowered;
	s4 =	sadd.s32 s4, s6;
	[dreg:$0x0] =	wrdreg $0x0  }
0x35: {  	s6 =	sshll.u32 s28, $0x1;
	[dreg:$0x2] =	wrdreg s4  }
0x36: {  	[dreg:$0x3] =	wrdreg s6  }
0x37: {  	[dreg:$0x4] =	wrdreg $0xC0  }
0x38: {  	_ =	task [dreg:s23], $0x5FFFF  }
0x39: {  	[dreg:$0x1] =	wrdreg $0xFFFFFFFF  }
0x3a: {  	[dreg:$0x0] =	wrdreg $0x60  }
0x3b: {  	[dreg:$0x2] =	wrdreg s25  }
0x3c: {  	[dreg:$0x3] =	wrdreg s18  }
0x3d: {  	[dreg:$0x4] =	wrdreg $0x9  }
0x3e: {  	_ =	task.clear_ibuf [dreg:s23], $0x5FFFF;
	_ =	strace $0x9000004C  }
0x3f: {  	s29 =	simm.s32 $0x9;
	_ =	strace $0x8000004E  }
0x40: {  	_ =	swait.ge [sflag:s29], $0x1  }
0x41: {  	[sflag:s29] =	ssyncadd.s32 $0xFFFFFFFF  }
0x42: {  	_ =	strace $0x9000004E  }
0x43: {  	_ =	sfence  }
0x44: {  	s30 =	sld [smem:$0x0];
	_ =	sdelay $0x2  }
0x45: {  	s31 =	sshll.u32 s1, $0xD;
	s1 =	sshrl.u32 s1, $0x2  }
0x46: {  	s4 =	sand.u32 $0x4000, s31;
	s1 =	sadd.s32 s1, s30  }
0x47: {  	s0 =	sor.u32 s4, s0;
	s1 =	sshll.u32 s1, $0x11  }
0x48: {  	s0 =	sor.u32 s1, s0  }
0x49: {  	s0 =	sadd.s32 $0x8F2B, s0  }
0x4a: {  	[sflag:s0] =	ssyncadd.remote.s32 $0x1  }
0x4b: {  	_ =	sfence.sel $0xFFFF  }
0x4c: {  	[dreg:$0x0] =	wrdreg $0xFFFFFFFF;
	(pc) =	sbr.abs _section_cstart, $3  }
0x4d: {  	[dreg:$0x1] =	wrdreg $0xFFFFFFFF  }
0x4e: {  	_ =	task.clear_ibuf [dreg:s23], $0x2FFFF;
	_ =	strace $0x9FFFFFFF  }
0x4f: {  	(tm) =	ssettm $0x7FFFFFFF  }
tec
execute0_lowered:
.L_overlay_start_1:
0x0: {  	(tag) =	ssettag $0x1  }
0x1: {  	s13 =	rddreg [dreg:$0x0];
	s0 =	srdreg.scid  }
0x2: {  	s2 =	rddreg [dreg:$0x1];
	s1 =	stileid.u32;
	s5 =	simm.s32 $0x1  }
0x3: {  	s6 =	simm.s32 $0x2;
	s10 =	simm.s32 $0x1;
	s20 =	simm.s32 $0x0  }
0x4: {  	s15 =	simm.s32 $0x200000;
	s21 =	simm.s32 $0x0;
	s3 =	sshll.u32 s0, $0x4  }
0x5: {  	s22 =	simm.s32 $0x0;
	s16 =	simm.s32 $0x0;
	s3 =	sand.u32 $0x10, s3  }
0x6: {  	s18 =	simm.s32 $0x0;
	s0 =	rddreg [dreg:$0x2];
	s4 =	sor.u32 s1, s3  }
0x7: {  	_ =	strace $0x8000004D;
	s8 =	sadd.s32 $0x2C02200, s13;
	s4 =	sshll.u32 s4, $0x7  }
0x8: {  	s19 =	simm.s32 $0x0;
	s12 =	sadd.s32 $0x3802200, s13;
	s7 =	ssub.s32 $0x2000, s4  }
0x9: {  	[sflag:s5] =	ssyncpa.u1 $0x0;
	s3 =	sadd.s32 $0x2002200, s13;
	s31 =	sand.u32 $0xF80, s7  }
.Ltmp0:
0xa: {  	[sflag:s6] =	ssyncpa.u1 $0x0;
	p0 =	sne.s32 s31, $0x0;
	(pc) =	sbr.rel .LBB1_1-.Ltmp0, $4  }
0xb: {  	s6 =	sadd.s32 $0x2402200, s13;
	s9 =	sshrl.u32 s7, $0xC;
	s10 =	simm.s32 @!p0 $0x0  }
0xc: {  	s17 =	smov.u32 s4;
	s7 =	sadd.s32 $0x2802200, s13;
	s11 =	sadd.s32 s10, s9  }
0xd: {  	p0 =	por $0x0, $0x0;
	s9 =	sadd.s32 $0x3002200, s13;
	s11 =	sshll.u32 s11, $0x5  }
0xe: {  	s10 =	sadd.s32 $0x3402200, s13;
	s13 =	sadd.s32 $0x3C02200, s13;
	s14 =	sor.u32 $0x1, s11  }
.LBB1_7:
0xf: {  	s23 =	sadd.s32 $0x1, s16  }
0x10: {  	s20 =	sadd.s32 $0x1000, s17;
	s24 =	smov.u32 s17;
	p2 =	sgt.s32 s23, $0x1F  }
0x11: {  	s24 =	smov.u32 @p2 s20  }
0x12: {  	s26 =	smov.u32 s18;
	s20 =	sadd.s32 $0x8, s18;
	p3 =	sgt.s32 s24, $0x1FFF  }
0x13: {  	s26 =	smov.u32 @p3 s20  }
0x14: {  	s23 =	simm.s32 @p2 $0x0;
	p2 =	sgt.s32 s26, $0x7  }
0x15: {  	p1 =	slt.u32 s19, $0x2;
	s26 =	simm.s32 @p2 $0x0;
	p2 =	sne.s32 s19, s14  }
.Ltmp1:
0x16: {  	s25 =	simm.s32 @!p1 $0x2;
	(pc) =	sbr.rel @!p2 .LBB1_8-.Ltmp1, $4  }
0x17: {  	s21 =	smov.u32 s17;
	s22 =	smov.u32 s18;
	_ =	swait.ge @!p1 [sflag:s25], $0x2000  }
0x18: {  	p0 =	por !p0, !p0;
	[sflag:s25] =	ssyncset.done @!p1 $0x0;
	s24 =	smov.u32 @p3 s4  }
0x19: {  	s20 =	smov.u32 s16;
	[sflag:s25] =	ssyncadd.s32 @!p1 $0xFFFFE000;
	s16 =	smov.u32 s23  }
0x1a: {  	s17 =	smov.u32 s24;
	s19 =	sadd.s32 $0x1, s19;
	s18 =	smov.u32 s26  }
.LBB1_1:
0x1b: {  	p1 =	sge.u32 s19, s11  }
0x1c: {  	s23 =	sxor.u32 @!p1 $0xFFFFFFFF, s19;
	s24 =	sshll.u32 @!p1 s18, $0x16;
	s25 =	sshll.u32 @!p1 s17, $0x9  }
0x1d: {  	s27 =	sshll.u32 @!p1 s16, $0x4;
	s28 =	simm.s32 @!p1 $0x8;
	s26 =	sadd.s32 @!p1 s24, s25  }
0x1e: {  	s23 =	sshll.u32 @!p1 s23, $0xD;
	s27 =	sand.u32 @!p1 $0x1F0, s27;
	s26 =	sadd.s32 @!p1 s3, s26  }
0x1f: {  	s29 =	simm.s32 @!p1 $0x1000;
	s23 =	sand.u32 @!p1 $0x2000, s23;
	s26 =	sadd.s32 @!p1 s27, s26  }
0x20: {  	[tilespmem:s23], [sflag:$0x1] =	stream.strided.gather @!p1 [hbm4b:s26+s28], $0x400, s29, s28, $0x38;
	[tilespmem:$0x8080] =	vst v63  }
0x21: {  	s26 =	sadd.s32 @!p1 s24, s6  }
0x22: {  	s26 =	sadd.s32 @!p1 s25, s26  }
0x23: {  	s30 =	sor.u32 @!p1 $0x400, s23;
	s26 =	sadd.s32 @!p1 s27, s26  }
0x24: {  	[tilespmem:s30], [sflag:$0x1] =	stream.strided.gather @!p1 [hbm4b:s26+s28], $0x400, s29, s28, $0x38;
	[tilespmem:$0x8080] =	vst v63  }
0x25: {  	s26 =	sadd.s32 @!p1 s24, s7  }
0x26: {  	s26 =	sadd.s32 @!p1 s25, s26  }
0x27: {  	s30 =	sor.u32 @!p1 $0x800, s23;
	s26 =	sadd.s32 @!p1 s27, s26  }
0x28: {  	[tilespmem:s30], [sflag:$0x1] =	stream.strided.gather @!p1 [hbm4b:s26+s28], $0x400, s29, s28, $0x38;
	[tilespmem:$0x8080] =	vst v63  }
0x29: {  	s26 =	sadd.s32 @!p1 s24, s8  }
0x2a: {  	s26 =	sadd.s32 @!p1 s25, s26  }
0x2b: {  	s30 =	sor.u32 @!p1 $0xC00, s23;
	s26 =	sadd.s32 @!p1 s27, s26  }
0x2c: {  	[tilespmem:s30], [sflag:$0x1] =	stream.strided.gather @!p1 [hbm4b:s26+s28], $0x400, s29, s28, $0x38;
	[tilespmem:$0x8080] =	vst v63  }
0x2d: {  	s26 =	sadd.s32 @!p1 s24, s9  }
0x2e: {  	s26 =	sadd.s32 @!p1 s25, s26  }
0x2f: {  	s30 =	sor.u32 @!p1 $0x1000, s23;
	s26 =	sadd.s32 @!p1 s27, s26  }
0x30: {  	[tilespmem:s30], [sflag:$0x1] =	stream.strided.gather @!p1 [hbm4b:s26+s28], $0x400, s29, s28, $0x38;
	[tilespmem:$0x8080] =	vst v63  }
0x31: {  	s26 =	sadd.s32 @!p1 s24, s10  }
0x32: {  	s26 =	sadd.s32 @!p1 s25, s26  }
0x33: {  	s30 =	sor.u32 @!p1 $0x1400, s23;
	s26 =	sadd.s32 @!p1 s27, s26  }
0x34: {  	[tilespmem:s30], [sflag:$0x1] =	stream.strided.gather @!p1 [hbm4b:s26+s28], $0x400, s29, s28, $0x38;
	[tilespmem:$0x8080] =	vst v63  }
0x35: {  	s26 =	sadd.s32 @!p1 s24, s12  }
0x36: {  	s24 =	sadd.s32 @!p1 s24, s13;
	s26 =	sadd.s32 @!p1 s25, s26  }
0x37: {  	s30 =	sor.u32 @!p1 $0x1800, s23;
	s24 =	sadd.s32 @!p1 s25, s24;
	s26 =	sadd.s32 @!p1 s27, s26  }
0x38: {  	[tilespmem:s30], [sflag:$0x1] =	stream.strided.gather @!p1 [hbm4b:s26+s28], $0x400, s29, s28, $0x38;
	[tilespmem:$0x8080] =	vst v63  }
0x39: {  	s31 =	sadd.s32 $0xFFFFFFFF, s19;
	s23 =	sor.u32 @!p1 $0x1C00, s23;
	s24 =	sadd.s32 @!p1 s27, s24  }
0x3a: {  	[tilespmem:s23], [sflag:$0x1] =	stream.strided.gather @!p1 [hbm4b:s24+s28], $0x400, s29, s28, $0x38;
	[tilespmem:$0x8080] =	vst v63  }
0x3b: {  	p1 =	sge.u32 s31, s11  }
.Ltmp2:
0x3c: {  	_ = 	snop;
	(pc) =	sbr.rel @p1 .LBB1_7-.Ltmp2, $1  }
0x3d: {  	_ =	sdelay $0x3  }
0x3e: {  	s23 =	simm.s32 $0x1;
	s24 =	sand.u32 $0x1, s19  }
0x3f: {  	s23 =	simm.s32 @!p0 $0x0;
	s26 =	smul.u32 $0x8100, s24  }
0x40: {  	_ =	swait.ge [sflag:s5], $0x2000;
	s25 =	smul.u32 $0x8100, s23  }
0x41: {  	[sflag:s5] =	ssyncset.done $0x0;
	s24 =	sshll.u32 s23, $0xD  }
0x42: {  	[sflag:s5] =	ssyncadd.s32 $0xFFFFE000;
	s31 =	sshrl.u32 s26, $0x2;
	s30 =	sshrl.u32 s25, $0x2  }
0x43: {  	s26 =	simm.s32 $0x0;
	s23 =	sor.u32 $0x4000, s31;
	s25 =	sor.u32 $0x4000, s30  }
.LBB1_3:
0x44: {  	v0 =	vmov s24;
	_ =	sdelay $0x3  }
0x45: {  	s27 =	simm.s32 $0x0  }
0x46: {  	v1 =	vld.idx.msk [tilespmem:v0+s27+$0x0 ss:$0x1], $0xff;
	_ =	sdelay $0x2  }
0x47: {  	s28 =	simm.s32 $0x20;
	s27 =	smov.u32 s25  }
.LBB1_4:
0x48: {  	s29 =	sshra.s32 s28, $0x2;
	p1 =	sne.s32 s28, $0xFE0;
	s28 =	sadd.s32 $0x20, s28  }
.Ltmp3:
0x49: {  	[tilespmem:s27+$0x0 ss:$0x81] =	vst.msk $0xff, v1;
	v1 =	vld.idx.msk [tilespmem:v0+s29+$0x0 ss:$0x1], $0xff;
	(pc) =	sbr.rel @p1 .LBB1_4-.Ltmp3, $2  }
0x4a: {  	_ =	sdelay $0x2  }
0x4b: {  	s27 =	sadd.s32 $0x1, s27  }
0x4c: {  	s26 =	sadd.s32 $0x1, s26  }
0x4d: {  	p1 =	sne.s32 s26, $0x8  }
.Ltmp4:
0x4e: {  	_ = 	snop;
	(pc) =	sbr.rel @p1 .LBB1_3-.Ltmp4, $2  }
0x4f: {  	_ =	sdelay $0x2  }
0x50: {  	[tilespmem:s27+$0x0 ss:$0x81] =	vst.msk $0xff, v1;
	s24 =	sadd.s32 $0x400, s24;
	s25 =	sadd.s32 $0x408, s25  }
0x51: {  	s24 =	sshll.u32 s21, $0x3;
	s25 =	sand.u32 $0x78, s21  }
0x52: {  	s22 =	sshll.u32 s22, $0x12;
	s30 =	sand.u32 $0x1C00, s21;
	s20 =	sshll.u32 s20, $0xD  }
.Ltmp5:
0x53: {  	s24 =	sand.u32 $0x1C00, s24;
	s22 =	sadd.s32 s2, s22;
	(pc) =	sbr.rel .LBB1_7-.Ltmp5, $4  }
0x54: {  	s31 =	sand.u32 $0x7, s21;
	s24 =	sor.u32 s25, s24;
	s22 =	sadd.s32 s30, s22  }
0x55: {  	s21 =	sshll.u32 s31, $0x12;
	s24 =	sshrl.u32 s24, $0x3;
	s20 =	sadd.s32 s20, s22  }
0x56: {  	s21 =	sor.u32 $0x400, s21;
	s20 =	sadd.s32 s24, s20  }
0x57: {  	[hbm4b:s20+s21] =	stream.strided.scatter [tilespmem:s23], [sflag:$0x2], $0x2000, s15, s21, $0x20;
	[tilespmem:$0x8080] =	vst v63  }
.LBB1_8:
0x58: {  	_ =	sfence.sel $0x180000  }
0x59: {  	s2 =	simm.s32 $0x1;
	[bflag:$0x0] =	sbarrier.arrive $0xFFFF  }
0x5a: {  	s31 =	simm.s32 $0x2;
	[sflag:s2] =	ssyncpa.u1 $0x1  }
0x5b: {  	[sflag:s31] =	ssyncpa.u1 $0x1  }
0x5c: {  	p0 =	sne.s32 s1, $0x0;
	_ =	strace $0x9000004D  }
0x5d: {  	s0 =	sadd.s32 @!p0 $0x100000, s0;
	[bflag:$0x2] =	sbarrier.arrive $0xFFFF  }
0x5e: {  	[sflag:s0] =	ssyncadd.tile.s32 @!p0 $0x1;
	_ =	shalt  }
.Lfunc_end1:
_tile_overlayer_lowered:
.L_overlay_start_2:
0x5f: {  	(tag) =	ssettag $0x2  }
0x60: {  	s0 =	rddreg [dreg:$0x0];
	s2 =	stileid.u32  }
0x61: {  	s1 =	rddreg [dreg:$0x1];
	p0 =	sne.s32 s2, $0x0  }
0x62: {  	s3 =	rddreg [dreg:$0x2];
	[bflag:$0x3] =	sbarrier.arrive $0xFFFF;
	s2 =	simm.s32 @!p0 $0x1C01  }
0x63: {  	[timem:s3], [sflag:s2] =	dma.local @!p0 [hbm:s0], s1  }
0x64: {  	s0 =	simm.s32 @!p0 $0x1  }
0x65: {  	_ =	swait.ge @!p0 [sflag:s0], s1  }
0x66: {  	s1 =	ssub.s32 @!p0 $0x0, s1;
	[sflag:s0] =	ssyncset.done @!p0 $0x0  }
0x67: {  	[sflag:s0] =	ssyncadd.s32 @!p0 s1  }
0x68: {  	[bflag:$0x3] =	sbarrier.arrive $0xFFFF  }
0x69: {  	_ =	shalt  }

</sc_bundles>
